<compile_context>
chip_gen: v7x
topology: tpu7x:2x2x1
jax: 0.10.2.dev20260603
libtpu: 0.0.44.dev20260713+nightly
codegen_flags: <defaults>
</compile_context>

<pallas_src>
import jax
import jax.numpy as jnp
from jax import lax
from jax.experimental import pallas as pl
from jax.experimental.pallas import tpu as pltpu
from jax.experimental.pallas import tpu_sc as plsc

D_MODEL = 768
BATCH = 4
SEQ_LEN = 2048

NUM_CORES = 2
NUM_SUBCORES = 16
NUM_WORKERS = NUM_CORES * NUM_SUBCORES
POS_PER_W = SEQ_LEN // NUM_WORKERS
LANES = 16


def _sc_embed_body(src_hbm, tok_hbm, pos_hbm, out_hbm, idx_v, pos_v, tok_v,
                   gsem):
    cid = lax.axis_index("c")
    sid = lax.axis_index("s")
    wid = sid * NUM_CORES + cid
    p0 = wid * POS_PER_W

    idx_copies = [
        pltpu.async_copy(src_hbm.at[b, pl.ds(p0, POS_PER_W)], idx_v.at[b], gsem)
        for b in range(BATCH)
    ]
    pltpu.sync_copy(pos_hbm.at[pl.ds(p0, POS_PER_W)], pos_v)
    for cpy in idx_copies:
        cpy.wait()

    def _batch(b, carry):
        pltpu.async_copy(tok_hbm.at[idx_v.at[b]], tok_v, gsem).wait()

        def _row_add(r, inner):
            for j in range(D_MODEL // LANES):
                sl = pl.ds(j * LANES, LANES)
                plsc.addupdate(tok_v.at[r, sl], pos_v[r, sl])
            return inner

        lax.fori_loop(0, POS_PER_W, _row_add, 0)
        pltpu.sync_copy(tok_v, out_hbm.at[b, pl.ds(p0, POS_PER_W)])
        return carry

    lax.fori_loop(0, BATCH, _batch, 0)


@jax.jit
def _sc_embed(src, token_table, pos_table):
    mesh = plsc.VectorSubcoreMesh(
        core_axis_name="c",
        subcore_axis_name="s",
        num_cores=NUM_CORES,
        num_subcores=NUM_SUBCORES,
    )
    f = pl.kernel(
        _sc_embed_body,
        out_type=jax.ShapeDtypeStruct((BATCH, SEQ_LEN, D_MODEL), jnp.float32),
        mesh=mesh,
        scratch_types=[
            pltpu.VMEM((BATCH, POS_PER_W), jnp.int32),
            pltpu.VMEM((POS_PER_W, D_MODEL), jnp.float32),
            pltpu.VMEM((POS_PER_W, D_MODEL), jnp.float32),
            pltpu.SemaphoreType.DMA,
        ],
    )
    return f(src, token_table, pos_table)


def kernel(src, token_table, pos_table):
    return _sc_embed(src.astype(jnp.int32), token_table, pos_table)

# --- scband reference (transcript-rebuilt; emitter-appended) ---
"""Pipeline reference for scband-gptembedding-84834194030980 (READ-ONLY COPY).

The authoritative reference and input builder live on the scoring server;
editing this copy changes nothing except your own understanding.
"""

import jax, jax.numpy as jnp
import numpy as np

VOCAB_SIZE = 100000
MAX_LEN = 8192
D_MODEL = 768
BATCH = 4
SEQ_LEN = 2048


def setup_inputs(seed: int = 0) -> dict:
    key = jax.random.key(seed)
    k_src, k_tok, k_pos = jax.random.split(key, 3)
    src = jax.random.randint(k_src, (BATCH, SEQ_LEN), 0, VOCAB_SIZE, dtype=jnp.int64 if jax.config.jax_enable_x64 else jnp.int32)
    token_table = jax.random.normal(k_tok, (VOCAB_SIZE, D_MODEL), dtype=jnp.float32)
    pos_table = jax.random.normal(k_pos, (MAX_LEN, D_MODEL), dtype=jnp.float32)
    return {"src": src, "token_table": token_table, "pos_table": pos_table}


def reference(src, token_table, pos_table):
    batch_size, seq_len = src.shape
    pos_ids = jnp.broadcast_to(jnp.arange(seq_len), (batch_size, seq_len))
    token_embedding = jnp.take(token_table, src, axis=0)
    pos_embedding = jnp.take(pos_table, pos_ids, axis=0)
    embeddings = token_embedding + pos_embedding
    return embeddings

if __name__ == "__main__":
    import jax
    _d = setup_inputs()
    print(jax.jit(kernel)(*tuple(_d.values())))

</pallas_src>

<mosaic_0001>
#map = affine_map<(d0, d1) -> (0, 0)>
#map1 = affine_map<(d0, d1) -> (0, 0, 0)>
module attributes {stable_mosaic.version = 14 : i64} {
  func.func @_sc_embed_body(%arg0: i32, %arg1: i32, %arg2: memref<4x2048xi32, #tpu.memory_space<hbm>>, %arg3: memref<100000x768xf32, #tpu.memory_space<hbm>>, %arg4: memref<8192x768xf32, #tpu.memory_space<hbm>>, %arg5: memref<4x2048x768xf32, #tpu.memory_space<hbm>>, %arg6: memref<4x64xi32, #tpu.memory_space<vmem>>, %arg7: memref<64x768xf32, #tpu.memory_space<vmem>>, %arg8: memref<64x768xf32, #tpu.memory_space<vmem>>, %arg9: memref<!tpu.dma_semaphore, #tpu.memory_space<semaphore_mem>>) attributes {dimension_semantics = [#tpu.dimension_semantics<core_parallel>, #tpu.dimension_semantics<subcore_parallel>], iteration_bounds = array<i64: 2, 16>, scalar_prefetch = 0 : i64, scratch_operands = 4 : i64, tpu.core_type = #tpu.core_type<sc_vector_subcore>, window_params = [{transform_indices = #map}, {transform_indices = #map}, {transform_indices = #map}, {transform_indices = #map1}]} {
    %mul3A = arith.constant 2 : i32
    %mul3A_0 = arith.muli %arg1, %mul3A : i32
    %add3A = arith.addi %mul3A_0, %arg0 : i32
    %mul3A_1 = arith.constant 64 : i32
    %mul3A_2 = arith.muli %add3A, %mul3A_1 : i32
    %dma_start3A = arith.constant 0 : i32
    %dma_start3A_3 = arith.constant 0 : i32
    %dma_start3A_4 = arith.constant 0 : i32
    %dma_start3A_5 = tpu.memref_slice %arg6[%dma_start3A_3, %dma_start3A_4] : memref<4x64xi32, #tpu.memory_space<vmem>> -> memref<1x64xi32, #tpu.memory_space<vmem>>
    %dma_start3A_6 = tpu.memref_squeeze %dma_start3A_5 : memref<1x64xi32, #tpu.memory_space<vmem>> -> memref<64xi32, #tpu.memory_space<vmem>>
    %dma_start3A_7 = tpu.memref_slice %arg2[%dma_start3A, %mul3A_2] : memref<4x2048xi32, #tpu.memory_space<hbm>> -> memref<1x64xi32, #tpu.memory_space<hbm>>
    %dma_start3A_8 = tpu.memref_squeeze %dma_start3A_7 : memref<1x64xi32, #tpu.memory_space<hbm>> -> memref<64xi32, #tpu.memory_space<hbm>>
    %dma_start3A_9 = arith.constant 0 : i32
    %dma_start3A_10 = tpu.memref_slice %arg6[%dma_start3A_3, %dma_start3A_9] : memref<4x64xi32, #tpu.memory_space<vmem>> -> memref<1x64xi32, #tpu.memory_space<vmem>>
    %dma_start3A_11 = tpu.memref_squeeze %dma_start3A_10 : memref<1x64xi32, #tpu.memory_space<vmem>> -> memref<64xi32, #tpu.memory_space<vmem>>
    %dma_start3A_12 = tpu.memref_slice %arg2[%dma_start3A, %mul3A_2] : memref<4x2048xi32, #tpu.memory_space<hbm>> -> memref<1x64xi32, #tpu.memory_space<hbm>>
    %dma_start3A_13 = tpu.memref_squeeze %dma_start3A_12 : memref<1x64xi32, #tpu.memory_space<hbm>> -> memref<64xi32, #tpu.memory_space<hbm>>
    tpu.enqueue_dma source(%dma_start3A_13 : memref<64xi32, #tpu.memory_space<hbm>>) target(%dma_start3A_11 : memref<64xi32, #tpu.memory_space<vmem>>) target_semaphore(%arg9 : memref<!tpu.dma_semaphore, #tpu.memory_space<semaphore_mem>>)
    %dma_start3A_14 = arith.constant 1 : i32
    %dma_start3A_15 = arith.constant 1 : i32
    %dma_start3A_16 = arith.constant 0 : i32
    %dma_start3A_17 = tpu.memref_slice %arg6[%dma_start3A_15, %dma_start3A_16] : memref<4x64xi32, #tpu.memory_space<vmem>> -> memref<1x64xi32, #tpu.memory_space<vmem>>
    %dma_start3A_18 = tpu.memref_squeeze %dma_start3A_17 : memref<1x64xi32, #tpu.memory_space<vmem>> -> memref<64xi32, #tpu.memory_space<vmem>>
    %dma_start3A_19 = tpu.memref_slice %arg2[%dma_start3A_14, %mul3A_2] : memref<4x2048xi32, #tpu.memory_space<hbm>> -> memref<1x64xi32, #tpu.memory_space<hbm>>
    %dma_start3A_20 = tpu.memref_squeeze %dma_start3A_19 : memref<1x64xi32, #tpu.memory_space<hbm>> -> memref<64xi32, #tpu.memory_space<hbm>>
    %dma_start3A_21 = arith.constant 0 : i32
    %dma_start3A_22 = tpu.memref_slice %arg6[%dma_start3A_15, %dma_start3A_21] : memref<4x64xi32, #tpu.memory_space<vmem>> -> memref<1x64xi32, #tpu.memory_space<vmem>>
    %dma_start3A_23 = tpu.memref_squeeze %dma_start3A_22 : memref<1x64xi32, #tpu.memory_space<vmem>> -> memref<64xi32, #tpu.memory_space<vmem>>
    %dma_start3A_24 = tpu.memref_slice %arg2[%dma_start3A_14, %mul3A_2] : memref<4x2048xi32, #tpu.memory_space<hbm>> -> memref<1x64xi32, #tpu.memory_space<hbm>>
    %dma_start3A_25 = tpu.memref_squeeze %dma_start3A_24 : memref<1x64xi32, #tpu.memory_space<hbm>> -> memref<64xi32, #tpu.memory_space<hbm>>
    tpu.enqueue_dma source(%dma_start3A_25 : memref<64xi32, #tpu.memory_space<hbm>>) target(%dma_start3A_23 : memref<64xi32, #tpu.memory_space<vmem>>) target_semaphore(%arg9 : memref<!tpu.dma_semaphore, #tpu.memory_space<semaphore_mem>>)
    %dma_start3A_26 = arith.constant 2 : i32
    %dma_start3A_27 = arith.constant 2 : i32
    %dma_start3A_28 = arith.constant 0 : i32
    %dma_start3A_29 = tpu.memref_slice %arg6[%dma_start3A_27, %dma_start3A_28] : memref<4x64xi32, #tpu.memory_space<vmem>> -> memref<1x64xi32, #tpu.memory_space<vmem>>
    %dma_start3A_30 = tpu.memref_squeeze %dma_start3A_29 : memref<1x64xi32, #tpu.memory_space<vmem>> -> memref<64xi32, #tpu.memory_space<vmem>>
    %dma_start3A_31 = tpu.memref_slice %arg2[%dma_start3A_26, %mul3A_2] : memref<4x2048xi32, #tpu.memory_space<hbm>> -> memref<1x64xi32, #tpu.memory_space<hbm>>
    %dma_start3A_32 = tpu.memref_squeeze %dma_start3A_31 : memref<1x64xi32, #tpu.memory_space<hbm>> -> memref<64xi32, #tpu.memory_space<hbm>>
    %dma_start3A_33 = arith.constant 0 : i32
    %dma_start3A_34 = tpu.memref_slice %arg6[%dma_start3A_27, %dma_start3A_33] : memref<4x64xi32, #tpu.memory_space<vmem>> -> memref<1x64xi32, #tpu.memory_space<vmem>>
    %dma_start3A_35 = tpu.memref_squeeze %dma_start3A_34 : memref<1x64xi32, #tpu.memory_space<vmem>> -> memref<64xi32, #tpu.memory_space<vmem>>
    %dma_start3A_36 = tpu.memref_slice %arg2[%dma_start3A_26, %mul3A_2] : memref<4x2048xi32, #tpu.memory_space<hbm>> -> memref<1x64xi32, #tpu.memory_space<hbm>>
    %dma_start3A_37 = tpu.memref_squeeze %dma_start3A_36 : memref<1x64xi32, #tpu.memory_space<hbm>> -> memref<64xi32, #tpu.memory_space<hbm>>
    tpu.enqueue_dma source(%dma_start3A_37 : memref<64xi32, #tpu.memory_space<hbm>>) target(%dma_start3A_35 : memref<64xi32, #tpu.memory_space<vmem>>) target_semaphore(%arg9 : memref<!tpu.dma_semaphore, #tpu.memory_space<semaphore_mem>>)
    %dma_start3A_38 = arith.constant 3 : i32
    %dma_start3A_39 = arith.constant 3 : i32
    %dma_start3A_40 = arith.constant 0 : i32
    %dma_start3A_41 = tpu.memref_slice %arg6[%dma_start3A_39, %dma_start3A_40] : memref<4x64xi32, #tpu.memory_space<vmem>> -> memref<1x64xi32, #tpu.memory_space<vmem>>
    %dma_start3A_42 = tpu.memref_squeeze %dma_start3A_41 : memref<1x64xi32, #tpu.memory_space<vmem>> -> memref<64xi32, #tpu.memory_space<vmem>>
    %dma_start3A_43 = tpu.memref_slice %arg2[%dma_start3A_38, %mul3A_2] : memref<4x2048xi32, #tpu.memory_space<hbm>> -> memref<1x64xi32, #tpu.memory_space<hbm>>
    %dma_start3A_44 = tpu.memref_squeeze %dma_start3A_43 : memref<1x64xi32, #tpu.memory_space<hbm>> -> memref<64xi32, #tpu.memory_space<hbm>>
    %dma_start3A_45 = arith.constant 0 : i32
    %dma_start3A_46 = tpu.memref_slice %arg6[%dma_start3A_39, %dma_start3A_45] : memref<4x64xi32, #tpu.memory_space<vmem>> -> memref<1x64xi32, #tpu.memory_space<vmem>>
    %dma_start3A_47 = tpu.memref_squeeze %dma_start3A_46 : memref<1x64xi32, #tpu.memory_space<vmem>> -> memref<64xi32, #tpu.memory_space<vmem>>
    %dma_start3A_48 = tpu.memref_slice %arg2[%dma_start3A_38, %mul3A_2] : memref<4x2048xi32, #tpu.memory_space<hbm>> -> memref<1x64xi32, #tpu.memory_space<hbm>>
    %dma_start3A_49 = tpu.memref_squeeze %dma_start3A_48 : memref<1x64xi32, #tpu.memory_space<hbm>> -> memref<64xi32, #tpu.memory_space<hbm>>
    tpu.enqueue_dma source(%dma_start3A_49 : memref<64xi32, #tpu.memory_space<hbm>>) target(%dma_start3A_47 : memref<64xi32, #tpu.memory_space<vmem>>) target_semaphore(%arg9 : memref<!tpu.dma_semaphore, #tpu.memory_space<semaphore_mem>>)
    "tpu.region"() ({
      %run_scoped3A = tpu.sem_alloc : memref<!tpu.dma_semaphore, #tpu.memory_space<semaphore_mem>>
      %dma_start3A_102 = arith.constant 0 : i32
      %dma_start3A_103 = tpu.memref_slice %arg4[%mul3A_2, %dma_start3A_102] : memref<8192x768xf32, #tpu.memory_space<hbm>> -> memref<64x768xf32, #tpu.memory_space<hbm>>
      %dma_start3A_104 = arith.constant 0 : i32
      %dma_start3A_105 = tpu.memref_slice %arg4[%mul3A_2, %dma_start3A_104] : memref<8192x768xf32, #tpu.memory_space<hbm>> -> memref<64x768xf32, #tpu.memory_space<hbm>>
      tpu.enqueue_dma source(%dma_start3A_105 : memref<64x768xf32, #tpu.memory_space<hbm>>) target(%arg7 : memref<64x768xf32, #tpu.memory_space<vmem>>) target_semaphore(%run_scoped3A : memref<!tpu.dma_semaphore, #tpu.memory_space<semaphore_mem>>)
      %dma_wait3A_106 = arith.constant 0 : i32
      %dma_wait3A_107 = tpu.memref_slice %arg4[%mul3A_2, %dma_wait3A_106] : memref<8192x768xf32, #tpu.memory_space<hbm>> -> memref<64x768xf32, #tpu.memory_space<hbm>>
      %dma_wait3A_108 = arith.constant 0 : i32
      %dma_wait3A_109 = tpu.memref_slice %arg4[%mul3A_2, %dma_wait3A_108] : memref<8192x768xf32, #tpu.memory_space<hbm>> -> memref<64x768xf32, #tpu.memory_space<hbm>>
      tpu.wait_dma2 semaphore(%run_scoped3A : memref<!tpu.dma_semaphore, #tpu.memory_space<semaphore_mem>>) src(%dma_wait3A_109 : memref<64x768xf32, #tpu.memory_space<hbm>>) dst(%arg7 : memref<64x768xf32, #tpu.memory_space<vmem>>)
      tpu.yield
    }) : () -> ()
    %dma_wait3A = arith.constant 0 : i32
    %dma_wait3A_50 = arith.constant 0 : i32
    %dma_wait3A_51 = arith.constant 0 : i32
    %dma_wait3A_52 = tpu.memref_slice %arg6[%dma_wait3A_50, %dma_wait3A_51] : memref<4x64xi32, #tpu.memory_space<vmem>> -> memref<1x64xi32, #tpu.memory_space<vmem>>
    %dma_wait3A_53 = tpu.memref_squeeze %dma_wait3A_52 : memref<1x64xi32, #tpu.memory_space<vmem>> -> memref<64xi32, #tpu.memory_space<vmem>>
    %dma_wait3A_54 = tpu.memref_slice %arg2[%dma_wait3A, %mul3A_2] : memref<4x2048xi32, #tpu.memory_space<hbm>> -> memref<1x64xi32, #tpu.memory_space<hbm>>
    %dma_wait3A_55 = tpu.memref_squeeze %dma_wait3A_54 : memref<1x64xi32, #tpu.memory_space<hbm>> -> memref<64xi32, #tpu.memory_space<hbm>>
    %dma_wait3A_56 = arith.constant 0 : i32
    %dma_wait3A_57 = tpu.memref_slice %arg6[%dma_wait3A_50, %dma_wait3A_56] : memref<4x64xi32, #tpu.memory_space<vmem>> -> memref<1x64xi32, #tpu.memory_space<vmem>>
    %dma_wait3A_58 = tpu.memref_squeeze %dma_wait3A_57 : memref<1x64xi32, #tpu.memory_space<vmem>> -> memref<64xi32, #tpu.memory_space<vmem>>
    %dma_wait3A_59 = tpu.memref_slice %arg2[%dma_wait3A, %mul3A_2] : memref<4x2048xi32, #tpu.memory_space<hbm>> -> memref<1x64xi32, #tpu.memory_space<hbm>>
    %dma_wait3A_60 = tpu.memref_squeeze %dma_wait3A_59 : memref<1x64xi32, #tpu.memory_space<hbm>> -> memref<64xi32, #tpu.memory_space<hbm>>
    tpu.wait_dma2 semaphore(%arg9 : memref<!tpu.dma_semaphore, #tpu.memory_space<semaphore_mem>>) src(%dma_wait3A_60 : memref<64xi32, #tpu.memory_space<hbm>>) dst(%dma_wait3A_58 : memref<64xi32, #tpu.memory_space<vmem>>)
    %dma_wait3A_61 = arith.constant 1 : i32
    %dma_wait3A_62 = arith.constant 1 : i32
    %dma_wait3A_63 = arith.constant 0 : i32
    %dma_wait3A_64 = tpu.memref_slice %arg6[%dma_wait3A_62, %dma_wait3A_63] : memref<4x64xi32, #tpu.memory_space<vmem>> -> memref<1x64xi32, #tpu.memory_space<vmem>>
    %dma_wait3A_65 = tpu.memref_squeeze %dma_wait3A_64 : memref<1x64xi32, #tpu.memory_space<vmem>> -> memref<64xi32, #tpu.memory_space<vmem>>
    %dma_wait3A_66 = tpu.memref_slice %arg2[%dma_wait3A_61, %mul3A_2] : memref<4x2048xi32, #tpu.memory_space<hbm>> -> memref<1x64xi32, #tpu.memory_space<hbm>>
    %dma_wait3A_67 = tpu.memref_squeeze %dma_wait3A_66 : memref<1x64xi32, #tpu.memory_space<hbm>> -> memref<64xi32, #tpu.memory_space<hbm>>
    %dma_wait3A_68 = arith.constant 0 : i32
    %dma_wait3A_69 = tpu.memref_slice %arg6[%dma_wait3A_62, %dma_wait3A_68] : memref<4x64xi32, #tpu.memory_space<vmem>> -> memref<1x64xi32, #tpu.memory_space<vmem>>
    %dma_wait3A_70 = tpu.memref_squeeze %dma_wait3A_69 : memref<1x64xi32, #tpu.memory_space<vmem>> -> memref<64xi32, #tpu.memory_space<vmem>>
    %dma_wait3A_71 = tpu.memref_slice %arg2[%dma_wait3A_61, %mul3A_2] : memref<4x2048xi32, #tpu.memory_space<hbm>> -> memref<1x64xi32, #tpu.memory_space<hbm>>
    %dma_wait3A_72 = tpu.memref_squeeze %dma_wait3A_71 : memref<1x64xi32, #tpu.memory_space<hbm>> -> memref<64xi32, #tpu.memory_space<hbm>>
    tpu.wait_dma2 semaphore(%arg9 : memref<!tpu.dma_semaphore, #tpu.memory_space<semaphore_mem>>) src(%dma_wait3A_72 : memref<64xi32, #tpu.memory_space<hbm>>) dst(%dma_wait3A_70 : memref<64xi32, #tpu.memory_space<vmem>>)
    %dma_wait3A_73 = arith.constant 2 : i32
    %dma_wait3A_74 = arith.constant 2 : i32
    %dma_wait3A_75 = arith.constant 0 : i32
    %dma_wait3A_76 = tpu.memref_slice %arg6[%dma_wait3A_74, %dma_wait3A_75] : memref<4x64xi32, #tpu.memory_space<vmem>> -> memref<1x64xi32, #tpu.memory_space<vmem>>
    %dma_wait3A_77 = tpu.memref_squeeze %dma_wait3A_76 : memref<1x64xi32, #tpu.memory_space<vmem>> -> memref<64xi32, #tpu.memory_space<vmem>>
    %dma_wait3A_78 = tpu.memref_slice %arg2[%dma_wait3A_73, %mul3A_2] : memref<4x2048xi32, #tpu.memory_space<hbm>> -> memref<1x64xi32, #tpu.memory_space<hbm>>
    %dma_wait3A_79 = tpu.memref_squeeze %dma_wait3A_78 : memref<1x64xi32, #tpu.memory_space<hbm>> -> memref<64xi32, #tpu.memory_space<hbm>>
    %dma_wait3A_80 = arith.constant 0 : i32
    %dma_wait3A_81 = tpu.memref_slice %arg6[%dma_wait3A_74, %dma_wait3A_80] : memref<4x64xi32, #tpu.memory_space<vmem>> -> memref<1x64xi32, #tpu.memory_space<vmem>>
    %dma_wait3A_82 = tpu.memref_squeeze %dma_wait3A_81 : memref<1x64xi32, #tpu.memory_space<vmem>> -> memref<64xi32, #tpu.memory_space<vmem>>
    %dma_wait3A_83 = tpu.memref_slice %arg2[%dma_wait3A_73, %mul3A_2] : memref<4x2048xi32, #tpu.memory_space<hbm>> -> memref<1x64xi32, #tpu.memory_space<hbm>>
    %dma_wait3A_84 = tpu.memref_squeeze %dma_wait3A_83 : memref<1x64xi32, #tpu.memory_space<hbm>> -> memref<64xi32, #tpu.memory_space<hbm>>
    tpu.wait_dma2 semaphore(%arg9 : memref<!tpu.dma_semaphore, #tpu.memory_space<semaphore_mem>>) src(%dma_wait3A_84 : memref<64xi32, #tpu.memory_space<hbm>>) dst(%dma_wait3A_82 : memref<64xi32, #tpu.memory_space<vmem>>)
    %dma_wait3A_85 = arith.constant 3 : i32
    %dma_wait3A_86 = arith.constant 3 : i32
    %dma_wait3A_87 = arith.constant 0 : i32
    %dma_wait3A_88 = tpu.memref_slice %arg6[%dma_wait3A_86, %dma_wait3A_87] : memref<4x64xi32, #tpu.memory_space<vmem>> -> memref<1x64xi32, #tpu.memory_space<vmem>>
    %dma_wait3A_89 = tpu.memref_squeeze %dma_wait3A_88 : memref<1x64xi32, #tpu.memory_space<vmem>> -> memref<64xi32, #tpu.memory_space<vmem>>
    %dma_wait3A_90 = tpu.memref_slice %arg2[%dma_wait3A_85, %mul3A_2] : memref<4x2048xi32, #tpu.memory_space<hbm>> -> memref<1x64xi32, #tpu.memory_space<hbm>>
    %dma_wait3A_91 = tpu.memref_squeeze %dma_wait3A_90 : memref<1x64xi32, #tpu.memory_space<hbm>> -> memref<64xi32, #tpu.memory_space<hbm>>
    %dma_wait3A_92 = arith.constant 0 : i32
    %dma_wait3A_93 = tpu.memref_slice %arg6[%dma_wait3A_86, %dma_wait3A_92] : memref<4x64xi32, #tpu.memory_space<vmem>> -> memref<1x64xi32, #tpu.memory_space<vmem>>
    %dma_wait3A_94 = tpu.memref_squeeze %dma_wait3A_93 : memref<1x64xi32, #tpu.memory_space<vmem>> -> memref<64xi32, #tpu.memory_space<vmem>>
    %dma_wait3A_95 = tpu.memref_slice %arg2[%dma_wait3A_85, %mul3A_2] : memref<4x2048xi32, #tpu.memory_space<hbm>> -> memref<1x64xi32, #tpu.memory_space<hbm>>
    %dma_wait3A_96 = tpu.memref_squeeze %dma_wait3A_95 : memref<1x64xi32, #tpu.memory_space<hbm>> -> memref<64xi32, #tpu.memory_space<hbm>>
    tpu.wait_dma2 semaphore(%arg9 : memref<!tpu.dma_semaphore, #tpu.memory_space<semaphore_mem>>) src(%dma_wait3A_96 : memref<64xi32, #tpu.memory_space<hbm>>) dst(%dma_wait3A_94 : memref<64xi32, #tpu.memory_space<vmem>>)
    %scan3A = arith.constant 0 : i32
    %scan3A_97 = arith.constant 0 : i32
    %scan3A_98 = arith.constant 4 : i32
    %scan3A_99 = arith.addi %scan3A_97, %scan3A_98 : i32
    %scan3A_100 = arith.constant 1 : i32
    scf.for %scan3A_102 = %scan3A_97 to %scan3A_99 step %scan3A_100  : i32 {
      %dma_start3A_103 = arith.constant 0 : i32
      %dma_start3A_104 = tpu.memref_slice %arg6[%scan3A_102, %dma_start3A_103] : memref<4x64xi32, #tpu.memory_space<vmem>> -> memref<1x64xi32, #tpu.memory_space<vmem>>
      %dma_start3A_105 = tpu.memref_squeeze %dma_start3A_104 : memref<1x64xi32, #tpu.memory_space<vmem>> -> memref<64xi32, #tpu.memory_space<vmem>>
      %dma_start3A_106 = arith.constant 0 : i32
      %dma_start3A_107 = arith.constant 0 : i32
      %dma_start3A_108 = tpu.memref_slice %arg3[%dma_start3A_106, %dma_start3A_107] : memref<100000x768xf32, #tpu.memory_space<hbm>> -> memref<100000x768xf32, #tpu.memory_space<hbm>>
      tpu.enqueue_indirect_dma source(%dma_start3A_108 : memref<100000x768xf32, #tpu.memory_space<hbm>>) target(%arg8 : memref<64x768xf32, #tpu.memory_space<vmem>>) offsets(%dma_start3A_105 : memref<64xi32, #tpu.memory_space<vmem>>) semaphore(%arg9 : memref<!tpu.dma_semaphore, #tpu.memory_space<semaphore_mem>>)
      %dma_wait3A_109 = arith.constant 0 : i32
      %dma_wait3A_110 = tpu.memref_slice %arg6[%scan3A_102, %dma_wait3A_109] : memref<4x64xi32, #tpu.memory_space<vmem>> -> memref<1x64xi32, #tpu.memory_space<vmem>>
      %dma_wait3A_111 = tpu.memref_squeeze %dma_wait3A_110 : memref<1x64xi32, #tpu.memory_space<vmem>> -> memref<64xi32, #tpu.memory_space<vmem>>
      %dma_wait3A_112 = arith.constant 0 : i32
      %dma_wait3A_113 = arith.constant 0 : i32
      %dma_wait3A_114 = tpu.memref_slice %arg3[%dma_wait3A_112, %dma_wait3A_113] : memref<100000x768xf32, #tpu.memory_space<hbm>> -> memref<100000x768xf32, #tpu.memory_space<hbm>>
      tpu.wait_indirect_dma semaphore(%arg9 : memref<!tpu.dma_semaphore, #tpu.memory_space<semaphore_mem>>) src(%dma_wait3A_114 : memref<100000x768xf32, #tpu.memory_space<hbm>>) dst(%arg8 : memref<64x768xf32, #tpu.memory_space<vmem>>)
      %scan3A_115 = arith.constant 0 : i32
      %scan3A_116 = arith.constant 0 : i32
      %scan3A_117 = arith.constant 64 : i32
      %scan3A_118 = arith.addi %scan3A_116, %scan3A_117 : i32
      %scan3A_119 = arith.constant 1 : i32
      scf.for %scan3A_121 = %scan3A_116 to %scan3A_118 step %scan3A_119  : i32 {
        %get3A = arith.index_cast %scan3A_121 : i32 to index
        %get3A_122 = arith.constant 0 : index
        %get3A_123 = tpu.vector_load %arg7[%get3A, %get3A_122] {strides = array<i32>} : memref<64x768xf32, #tpu.memory_space<vmem>>, vector<1x16xf32>,
        %get3A_124 = vector.shape_cast %get3A_123 : vector<1x16xf32> to vector<16xf32>
        %swap3A = arith.index_cast %scan3A_121 : i32 to index
        %swap3A_125 = arith.constant 0 : index
        %swap3A_126 = tpu.vector_load %arg8[%swap3A, %swap3A_125] {strides = array<i32>} : memref<64x768xf32, #tpu.memory_space<vmem>>, vector<1x16xf32>,
        %swap3A_127 = vector.shape_cast %swap3A_126 : vector<1x16xf32> to vector<16xf32>
        %swap3A_128 = vector.shape_cast %get3A_124 : vector<16xf32> to vector<1x16xf32>
        tpu.vector_store %arg8[%swap3A, %swap3A_125], %swap3A_128 {add = true, strides = array<i32>} : memref<64x768xf32, #tpu.memory_space<vmem>>, vector<1x16xf32>,
        %get3A_129 = arith.index_cast %scan3A_121 : i32 to index
        %get3A_130 = arith.constant 16 : index
        %get3A_131 = tpu.vector_load %arg7[%get3A_129, %get3A_130] {strides = array<i32>} : memref<64x768xf32, #tpu.memory_space<vmem>>, vector<1x16xf32>,
        %get3A_132 = vector.shape_cast %get3A_131 : vector<1x16xf32> to vector<16xf32>
        %swap3A_133 = arith.index_cast %scan3A_121 : i32 to index
        %swap3A_134 = arith.constant 16 : index
        %swap3A_135 = tpu.vector_load %arg8[%swap3A_133, %swap3A_134] {strides = array<i32>} : memref<64x768xf32, #tpu.memory_space<vmem>>, vector<1x16xf32>,
        %swap3A_136 = vector.shape_cast %swap3A_135 : vector<1x16xf32> to vector<16xf32>
        %swap3A_137 = vector.shape_cast %get3A_132 : vector<16xf32> to vector<1x16xf32>
        tpu.vector_store %arg8[%swap3A_133, %swap3A_134], %swap3A_137 {add = true, strides = array<i32>} : memref<64x768xf32, #tpu.memory_space<vmem>>, vector<1x16xf32>,
        %get3A_138 = arith.index_cast %scan3A_121 : i32 to index
        %get3A_139 = arith.constant 32 : index
        %get3A_140 = tpu.vector_load %arg7[%get3A_138, %get3A_139] {strides = array<i32>} : memref<64x768xf32, #tpu.memory_space<vmem>>, vector<1x16xf32>,
        %get3A_141 = vector.shape_cast %get3A_140 : vector<1x16xf32> to vector<16xf32>
        %swap3A_142 = arith.index_cast %scan3A_121 : i32 to index
        %swap3A_143 = arith.constant 32 : index
        %swap3A_144 = tpu.vector_load %arg8[%swap3A_142, %swap3A_143] {strides = array<i32>} : memref<64x768xf32, #tpu.memory_space<vmem>>, vector<1x16xf32>,
        %swap3A_145 = vector.shape_cast %swap3A_144 : vector<1x16xf32> to vector<16xf32>
        %swap3A_146 = vector.shape_cast %get3A_141 : vector<16xf32> to vector<1x16xf32>
        tpu.vector_store %arg8[%swap3A_142, %swap3A_143], %swap3A_146 {add = true, strides = array<i32>} : memref<64x768xf32, #tpu.memory_space<vmem>>, vector<1x16xf32>,
        %get3A_147 = arith.index_cast %scan3A_121 : i32 to index
        %get3A_148 = arith.constant 48 : index
        %get3A_149 = tpu.vector_load %arg7[%get3A_147, %get3A_148] {strides = array<i32>} : memref<64x768xf32, #tpu.memory_space<vmem>>, vector<1x16xf32>,
        %get3A_150 = vector.shape_cast %get3A_149 : vector<1x16xf32> to vector<16xf32>
        %swap3A_151 = arith.index_cast %scan3A_121 : i32 to index
        %swap3A_152 = arith.constant 48 : index
        %swap3A_153 = tpu.vector_load %arg8[%swap3A_151, %swap3A_152] {strides = array<i32>} : memref<64x768xf32, #tpu.memory_space<vmem>>, vector<1x16xf32>,
        %swap3A_154 = vector.shape_cast %swap3A_153 : vector<1x16xf32> to vector<16xf32>
        %swap3A_155 = vector.shape_cast %get3A_150 : vector<16xf32> to vector<1x16xf32>
        tpu.vector_store %arg8[%swap3A_151, %swap3A_152], %swap3A_155 {add = true, strides = array<i32>} : memref<64x768xf32, #tpu.memory_space<vmem>>, vector<1x16xf32>,
        %get3A_156 = arith.index_cast %scan3A_121 : i32 to index
        %get3A_157 = arith.constant 64 : index
        %get3A_158 = tpu.vector_load %arg7[%get3A_156, %get3A_157] {strides = array<i32>} : memref<64x768xf32, #tpu.memory_space<vmem>>, vector<1x16xf32>,
        %get3A_159 = vector.shape_cast %get3A_158 : vector<1x16xf32> to vector<16xf32>
        %swap3A_160 = arith.index_cast %scan3A_121 : i32 to index
        %swap3A_161 = arith.constant 64 : index
        %swap3A_162 = tpu.vector_load %arg8[%swap3A_160, %swap3A_161] {strides = array<i32>} : memref<64x768xf32, #tpu.memory_space<vmem>>, vector<1x16xf32>,
        %swap3A_163 = vector.shape_cast %swap3A_162 : vector<1x16xf32> to vector<16xf32>
        %swap3A_164 = vector.shape_cast %get3A_159 : vector<16xf32> to vector<1x16xf32>
        tpu.vector_store %arg8[%swap3A_160, %swap3A_161], %swap3A_164 {add = true, strides = array<i32>} : memref<64x768xf32, #tpu.memory_space<vmem>>, vector<1x16xf32>,
        %get3A_165 = arith.index_cast %scan3A_121 : i32 to index
        %get3A_166 = arith.constant 80 : index
        %get3A_167 = tpu.vector_load %arg7[%get3A_165, %get3A_166] {strides = array<i32>} : memref<64x768xf32, #tpu.memory_space<vmem>>, vector<1x16xf32>,
        %get3A_168 = vector.shape_cast %get3A_167 : vector<1x16xf32> to vector<16xf32>
        %swap3A_169 = arith.index_cast %scan3A_121 : i32 to index
        %swap3A_170 = arith.constant 80 : index
        %swap3A_171 = tpu.vector_load %arg8[%swap3A_169, %swap3A_170] {strides = array<i32>} : memref<64x768xf32, #tpu.memory_space<vmem>>, vector<1x16xf32>,
        %swap3A_172 = vector.shape_cast %swap3A_171 : vector<1x16xf32> to vector<16xf32>
        %swap3A_173 = vector.shape_cast %get3A_168 : vector<16xf32> to vector<1x16xf32>
        tpu.vector_store %arg8[%swap3A_169, %swap3A_170], %swap3A_173 {add = true, strides = array<i32>} : memref<64x768xf32, #tpu.memory_space<vmem>>, vector<1x16xf32>,
        %get3A_174 = arith.index_cast %scan3A_121 : i32 to index
        %get3A_175 = arith.constant 96 : index
        %get3A_176 = tpu.vector_load %arg7[%get3A_174, %get3A_175] {strides = array<i32>} : memref<64x768xf32, #tpu.memory_space<vmem>>, vector<1x16xf32>,
        %get3A_177 = vector.shape_cast %get3A_176 : vector<1x16xf32> to vector<16xf32>
        %swap3A_178 = arith.index_cast %scan3A_121 : i32 to index
        %swap3A_179 = arith.constant 96 : index
        %swap3A_180 = tpu.vector_load %arg8[%swap3A_178, %swap3A_179] {strides = array<i32>} : memref<64x768xf32, #tpu.memory_space<vmem>>, vector<1x16xf32>,
        %swap3A_181 = vector.shape_cast %swap3A_180 : vector<1x16xf32> to vector<16xf32>
        %swap3A_182 = vector.shape_cast %get3A_177 : vector<16xf32> to vector<1x16xf32>
        tpu.vector_store %arg8[%swap3A_178, %swap3A_179], %swap3A_182 {add = true, strides = array<i32>} : memref<64x768xf32, #tpu.memory_space<vmem>>, vector<1x16xf32>,
        %get3A_183 = arith.index_cast %scan3A_121 : i32 to index
        %get3A_184 = arith.constant 112 : index
        %get3A_185 = tpu.vector_load %arg7[%get3A_183, %get3A_184] {strides = array<i32>} : memref<64x768xf32, #tpu.memory_space<vmem>>, vector<1x16xf32>,
        %get3A_186 = vector.shape_cast %get3A_185 : vector<1x16xf32> to vector<16xf32>
        %swap3A_187 = arith.index_cast %scan3A_121 : i32 to index
        %swap3A_188 = arith.constant 112 : index
        %swap3A_189 = tpu.vector_load %arg8[%swap3A_187, %swap3A_188] {strides = array<i32>} : memref<64x768xf32, #tpu.memory_space<vmem>>, vector<1x16xf32>,
        %swap3A_190 = vector.shape_cast %swap3A_189 : vector<1x16xf32> to vector<16xf32>
        %swap3A_191 = vector.shape_cast %get3A_186 : vector<16xf32> to vector<1x16xf32>
        tpu.vector_store %arg8[%swap3A_187, %swap3A_188], %swap3A_191 {add = true, strides = array<i32>} : memref<64x768xf32, #tpu.memory_space<vmem>>, vector<1x16xf32>,
        %get3A_192 = arith.index_cast %scan3A_121 : i32 to index
        %get3A_193 = arith.constant 128 : index
        %get3A_194 = tpu.vector_load %arg7[%get3A_192, %get3A_193] {strides = array<i32>} : memref<64x768xf32, #tpu.memory_space<vmem>>, vector<1x16xf32>,
        %get3A_195 = vector.shape_cast %get3A_194 : vector<1x16xf32> to vector<16xf32>
        %swap3A_196 = arith.index_cast %scan3A_121 : i32 to index
        %swap3A_197 = arith.constant 128 : index
        %swap3A_198 = tpu.vector_load %arg8[%swap3A_196, %swap3A_197] {strides = array<i32>} : memref<64x768xf32, #tpu.memory_space<vmem>>, vector<1x16xf32>,
        %swap3A_199 = vector.shape_cast %swap3A_198 : vector<1x16xf32> to vector<16xf32>
        %swap3A_200 = vector.shape_cast %get3A_195 : vector<16xf32> to vector<1x16xf32>
        tpu.vector_store %arg8[%swap3A_196, %swap3A_197], %swap3A_200 {add = true, strides = array<i32>} : memref<64x768xf32, #tpu.memory_space<vmem>>, vector<1x16xf32>,
        %get3A_201 = arith.index_cast %scan3A_121 : i32 to index
        %get3A_202 = arith.constant 144 : index
        %get3A_203 = tpu.vector_load %arg7[%get3A_201, %get3A_202] {strides = array<i32>} : memref<64x768xf32, #tpu.memory_space<vmem>>, vector<1x16xf32>,
        %get3A_204 = vector.shape_cast %get3A_203 : vector<1x16xf32> to vector<16xf32>
        %swap3A_205 = arith.index_cast %scan3A_121 : i32 to index
        %swap3A_206 = arith.constant 144 : index
        %swap3A_207 = tpu.vector_load %arg8[%swap3A_205, %swap3A_206] {strides = array<i32>} : memref<64x768xf32, #tpu.memory_space<vmem>>, vector<1x16xf32>,
        %swap3A_208 = vector.shape_cast %swap3A_207 : vector<1x16xf32> to vector<16xf32>
        %swap3A_209 = vector.shape_cast %get3A_204 : vector<16xf32> to vector<1x16xf32>
        tpu.vector_store %arg8[%swap3A_205, %swap3A_206], %swap3A_209 {add = true, strides = array<i32>} : memref<64x768xf32, #tpu.memory_space<vmem>>, vector<1x16xf32>,
        %get3A_210 = arith.index_cast %scan3A_121 : i32 to index
        %get3A_211 = arith.constant 160 : index
        %get3A_212 = tpu.vector_load %arg7[%get3A_210, %get3A_211] {strides = array<i32>} : memref<64x768xf32, #tpu.memory_space<vmem>>, vector<1x16xf32>,
        %get3A_213 = vector.shape_cast %get3A_212 : vector<1x16xf32> to vector<16xf32>
        %swap3A_214 = arith.index_cast %scan3A_121 : i32 to index
        %swap3A_215 = arith.constant 160 : index
        %swap3A_216 = tpu.vector_load %arg8[%swap3A_214, %swap3A_215] {strides = array<i32>} : memref<64x768xf32, #tpu.memory_space<vmem>>, vector<1x16xf32>,
        %swap3A_217 = vector.shape_cast %swap3A_216 : vector<1x16xf32> to vector<16xf32>
        %swap3A_218 = vector.shape_cast %get3A_213 : vector<16xf32> to vector<1x16xf32>
        tpu.vector_store %arg8[%swap3A_214, %swap3A_215], %swap3A_218 {add = true, strides = array<i32>} : memref<64x768xf32, #tpu.memory_space<vmem>>, vector<1x16xf32>,
        %get3A_219 = arith.index_cast %scan3A_121 : i32 to index
        %get3A_220 = arith.constant 176 : index
        %get3A_221 = tpu.vector_load %arg7[%get3A_219, %get3A_220] {strides = array<i32>} : memref<64x768xf32, #tpu.memory_space<vmem>>, vector<1x16xf32>,
        %get3A_222 = vector.shape_cast %get3A_221 : vector<1x16xf32> to vector<16xf32>
        %swap3A_223 = arith.index_cast %scan3A_121 : i32 to index
        %swap3A_224 = arith.constant 176 : index
        %swap3A_225 = tpu.vector_load %arg8[%swap3A_223, %swap3A_224] {strides = array<i32>} : memref<64x768xf32, #tpu.memory_space<vmem>>, vector<1x16xf32>,
        %swap3A_226 = vector.shape_cast %swap3A_225 : vector<1x16xf32> to vector<16xf32>
        %swap3A_227 = vector.shape_cast %get3A_222 : vector<16xf32> to vector<1x16xf32>
        tpu.vector_store %arg8[%swap3A_223, %swap3A_224], %swap3A_227 {add = true, strides = array<i32>} : memref<64x768xf32, #tpu.memory_space<vmem>>, vector<1x16xf32>,
        %get3A_228 = arith.index_cast %scan3A_121 : i32 to index
        %get3A_229 = arith.constant 192 : index
        %get3A_230 = tpu.vector_load %arg7[%get3A_228, %get3A_229] {strides = array<i32>} : memref<64x768xf32, #tpu.memory_space<vmem>>, vector<1x16xf32>,
        %get3A_231 = vector.shape_cast %get3A_230 : vector<1x16xf32> to vector<16xf32>
        %swap3A_232 = arith.index_cast %scan3A_121 : i32 to index
        %swap3A_233 = arith.constant 192 : index
        %swap3A_234 = tpu.vector_load %arg8[%swap3A_232, %swap3A_233] {strides = array<i32>} : memref<64x768xf32, #tpu.memory_space<vmem>>, vector<1x16xf32>,
        %swap3A_235 = vector.shape_cast %swap3A_234 : vector<1x16xf32> to vector<16xf32>
        %swap3A_236 = vector.shape_cast %get3A_231 : vector<16xf32> to vector<1x16xf32>
        tpu.vector_store %arg8[%swap3A_232, %swap3A_233], %swap3A_236 {add = true, strides = array<i32>} : memref<64x768xf32, #tpu.memory_space<vmem>>, vector<1x16xf32>,
        %get3A_237 = arith.index_cast %scan3A_121 : i32 to index
        %get3A_238 = arith.constant 208 : index
        %get3A_239 = tpu.vector_load %arg7[%get3A_237, %get3A_238] {strides = array<i32>} : memref<64x768xf32, #tpu.memory_space<vmem>>, vector<1x16xf32>,
        %get3A_240 = vector.shape_cast %get3A_239 : vector<1x16xf32> to vector<16xf32>
        %swap3A_241 = arith.index_cast %scan3A_121 : i32 to index
        %swap3A_242 = arith.constant 208 : index
        %swap3A_243 = tpu.vector_load %arg8[%swap3A_241, %swap3A_242] {strides = array<i32>} : memref<64x768xf32, #tpu.memory_space<vmem>>, vector<1x16xf32>,
        %swap3A_244 = vector.shape_cast %swap3A_243 : vector<1x16xf32> to vector<16xf32>
        %swap3A_245 = vector.shape_cast %get3A_240 : vector<16xf32> to vector<1x16xf32>
        tpu.vector_store %arg8[%swap3A_241, %swap3A_242], %swap3A_245 {add = true, strides = array<i32>} : memref<64x768xf32, #tpu.memory_space<vmem>>, vector<1x16xf32>,
        %get3A_246 = arith.index_cast %scan3A_121 : i32 to index
        %get3A_247 = arith.constant 224 : index
        %get3A_248 = tpu.vector_load %arg7[%get3A_246, %get3A_247] {strides = array<i32>} : memref<64x768xf32, #tpu.memory_space<vmem>>, vector<1x16xf32>,
        %get3A_249 = vector.shape_cast %get3A_248 : vector<1x16xf32> to vector<16xf32>
        %swap3A_250 = arith.index_cast %scan3A_121 : i32 to index
        %swap3A_251 = arith.constant 224 : index
        %swap3A_252 = tpu.vector_load %arg8[%swap3A_250, %swap3A_251] {strides = array<i32>} : memref<64x768xf32, #tpu.memory_space<vmem>>, vector<1x16xf32>,
        %swap3A_253 = vector.shape_cast %swap3A_252 : vector<1x16xf32> to vector<16xf32>
        %swap3A_254 = vector.shape_cast %get3A_249 : vector<16xf32> to vector<1x16xf32>
        tpu.vector_store %arg8[%swap3A_250, %swap3A_251], %swap3A_254 {add = true, strides = array<i32>} : memref<64x768xf32, #tpu.memory_space<vmem>>, vector<1x16xf32>,
        %get3A_255 = arith.index_cast %scan3A_121 : i32 to index
        %get3A_256 = arith.constant 240 : index
        %get3A_257 = tpu.vector_load %arg7[%get3A_255, %get3A_256] {strides = array<i32>} : memref<64x768xf32, #tpu.memory_space<vmem>>, vector<1x16xf32>,
        %get3A_258 = vector.shape_cast %get3A_257 : vector<1x16xf32> to vector<16xf32>
        %swap3A_259 = arith.index_cast %scan3A_121 : i32 to index
        %swap3A_260 = arith.constant 240 : index
        %swap3A_261 = tpu.vector_load %arg8[%swap3A_259, %swap3A_260] {strides = array<i32>} : memref<64x768xf32, #tpu.memory_space<vmem>>, vector<1x16xf32>,
        %swap3A_262 = vector.shape_cast %swap3A_261 : vector<1x16xf32> to vector<16xf32>
        %swap3A_263 = vector.shape_cast %get3A_258 : vector<16xf32> to vector<1x16xf32>
        tpu.vector_store %arg8[%swap3A_259, %swap3A_260], %swap3A_263 {add = true, strides = array<i32>} : memref<64x768xf32, #tpu.memory_space<vmem>>, vector<1x16xf32>,
        %get3A_264 = arith.index_cast %scan3A_121 : i32 to index
        %get3A_265 = arith.constant 256 : index
        %get3A_266 = tpu.vector_load %arg7[%get3A_264, %get3A_265] {strides = array<i32>} : memref<64x768xf32, #tpu.memory_space<vmem>>, vector<1x16xf32>,
        %get3A_267 = vector.shape_cast %get3A_266 : vector<1x16xf32> to vector<16xf32>
        %swap3A_268 = arith.index_cast %scan3A_121 : i32 to index
        %swap3A_269 = arith.constant 256 : index
        %swap3A_270 = tpu.vector_load %arg8[%swap3A_268, %swap3A_269] {strides = array<i32>} : memref<64x768xf32, #tpu.memory_space<vmem>>, vector<1x16xf32>,
        %swap3A_271 = vector.shape_cast %swap3A_270 : vector<1x16xf32> to vector<16xf32>
        %swap3A_272 = vector.shape_cast %get3A_267 : vector<16xf32> to vector<1x16xf32>
        tpu.vector_store %arg8[%swap3A_268, %swap3A_269], %swap3A_272 {add = true, strides = array<i32>} : memref<64x768xf32, #tpu.memory_space<vmem>>, vector<1x16xf32>,
        %get3A_273 = arith.index_cast %scan3A_121 : i32 to index
        %get3A_274 = arith.constant 272 : index
        %get3A_275 = tpu.vector_load %arg7[%get3A_273, %get3A_274] {strides = array<i32>} : memref<64x768xf32, #tpu.memory_space<vmem>>, vector<1x16xf32>,
        %get3A_276 = vector.shape_cast %get3A_275 : vector<1x16xf32> to vector<16xf32>
        %swap3A_277 = arith.index_cast %scan3A_121 : i32 to index
        %swap3A_278 = arith.constant 272 : index
        %swap3A_279 = tpu.vector_load %arg8[%swap3A_277, %swap3A_278] {strides = array<i32>} : memref<64x768xf32, #tpu.memory_space<vmem>>, vector<1x16xf32>,
        %swap3A_280 = vector.shape_cast %swap3A_279 : vector<1x16xf32> to vector<16xf32>
        %swap3A_281 = vector.shape_cast %get3A_276 : vector<16xf32> to vector<1x16xf32>
        tpu.vector_store %arg8[%swap3A_277, %swap3A_278], %swap3A_281 {add = true, strides = array<i32>} : memref<64x768xf32, #tpu.memory_space<vmem>>, vector<1x16xf32>,
        %get3A_282 = arith.index_cast %scan3A_121 : i32 to index
        %get3A_283 = arith.constant 288 : index
        %get3A_284 = tpu.vector_load %arg7[%get3A_282, %get3A_283] {strides = array<i32>} : memref<64x768xf32, #tpu.memory_space<vmem>>, vector<1x16xf32>,
        %get3A_285 = vector.shape_cast %get3A_284 : vector<1x16xf32> to vector<16xf32>
        %swap3A_286 = arith.index_cast %scan3A_121 : i32 to index
        %swap3A_287 = arith.constant 288 : index
        %swap3A_288 = tpu.vector_load %arg8[%swap3A_286, %swap3A_287] {strides = array<i32>} : memref<64x768xf32, #tpu.memory_space<vmem>>, vector<1x16xf32>,
        %swap3A_289 = vector.shape_cast %swap3A_288 : vector<1x16xf32> to vector<16xf32>
        %swap3A_290 = vector.shape_cast %get3A_285 : vector<16xf32> to vector<1x16xf32>
        tpu.vector_store %arg8[%swap3A_286, %swap3A_287], %swap3A_290 {add = true, strides = array<i32>} : memref<64x768xf32, #tpu.memory_space<vmem>>, vector<1x16xf32>,
        %get3A_291 = arith.index_cast %scan3A_121 : i32 to index
        %get3A_292 = arith.constant 304 : index
        %get3A_293 = tpu.vector_load %arg7[%get3A_291, %get3A_292] {strides = array<i32>} : memref<64x768xf32, #tpu.memory_space<vmem>>, vector<1x16xf32>,
        %get3A_294 = vector.shape_cast %get3A_293 : vector<1x16xf32> to vector<16xf32>
        %swap3A_295 = arith.index_cast %scan3A_121 : i32 to index
        %swap3A_296 = arith.constant 304 : index
        %swap3A_297 = tpu.vector_load %arg8[%swap3A_295, %swap3A_296] {strides = array<i32>} : memref<64x768xf32, #tpu.memory_space<vmem>>, vector<1x16xf32>,
        %swap3A_298 = vector.shape_cast %swap3A_297 : vector<1x16xf32> to vector<16xf32>
        %swap3A_299 = vector.shape_cast %get3A_294 : vector<16xf32> to vector<1x16xf32>
        tpu.vector_store %arg8[%swap3A_295, %swap3A_296], %swap3A_299 {add = true, strides = array<i32>} : memref<64x768xf32, #tpu.memory_space<vmem>>, vector<1x16xf32>,
        %get3A_300 = arith.index_cast %scan3A_121 : i32 to index
        %get3A_301 = arith.constant 320 : index
        %get3A_302 = tpu.vector_load %arg7[%get3A_300, %get3A_301] {strides = array<i32>} : memref<64x768xf32, #tpu.memory_space<vmem>>, vector<1x16xf32>,
        %get3A_303 = vector.shape_cast %get3A_302 : vector<1x16xf32> to vector<16xf32>
        %swap3A_304 = arith.index_cast %scan3A_121 : i32 to index
        %swap3A_305 = arith.constant 320 : index
        %swap3A_306 = tpu.vector_load %arg8[%swap3A_304, %swap3A_305] {strides = array<i32>} : memref<64x768xf32, #tpu.memory_space<vmem>>, vector<1x16xf32>,
        %swap3A_307 = vector.shape_cast %swap3A_306 : vector<1x16xf32> to vector<16xf32>
        %swap3A_308 = vector.shape_cast %get3A_303 : vector<16xf32> to vector<1x16xf32>
        tpu.vector_store %arg8[%swap3A_304, %swap3A_305], %swap3A_308 {add = true, strides = array<i32>} : memref<64x768xf32, #tpu.memory_space<vmem>>, vector<1x16xf32>,
        %get3A_309 = arith.index_cast %scan3A_121 : i32 to index
        %get3A_310 = arith.constant 336 : index
        %get3A_311 = tpu.vector_load %arg7[%get3A_309, %get3A_310] {strides = array<i32>} : memref<64x768xf32, #tpu.memory_space<vmem>>, vector<1x16xf32>,
        %get3A_312 = vector.shape_cast %get3A_311 : vector<1x16xf32> to vector<16xf32>
        %swap3A_313 = arith.index_cast %scan3A_121 : i32 to index
        %swap3A_314 = arith.constant 336 : index
        %swap3A_315 = tpu.vector_load %arg8[%swap3A_313, %swap3A_314] {strides = array<i32>} : memref<64x768xf32, #tpu.memory_space<vmem>>, vector<1x16xf32>,
        %swap3A_316 = vector.shape_cast %swap3A_315 : vector<1x16xf32> to vector<16xf32>
        %swap3A_317 = vector.shape_cast %get3A_312 : vector<16xf32> to vector<1x16xf32>
        tpu.vector_store %arg8[%swap3A_313, %swap3A_314], %swap3A_317 {add = true, strides = array<i32>} : memref<64x768xf32, #tpu.memory_space<vmem>>, vector<1x16xf32>,
        %get3A_318 = arith.index_cast %scan3A_121 : i32 to index
        %get3A_319 = arith.constant 352 : index
        %get3A_320 = tpu.vector_load %arg7[%get3A_318, %get3A_319] {strides = array<i32>} : memref<64x768xf32, #tpu.memory_space<vmem>>, vector<1x16xf32>,
        %get3A_321 = vector.shape_cast %get3A_320 : vector<1x16xf32> to vector<16xf32>
        %swap3A_322 = arith.index_cast %scan3A_121 : i32 to index
        %swap3A_323 = arith.constant 352 : index
        %swap3A_324 = tpu.vector_load %arg8[%swap3A_322, %swap3A_323] {strides = array<i32>} : memref<64x768xf32, #tpu.memory_space<vmem>>, vector<1x16xf32>,
        %swap3A_325 = vector.shape_cast %swap3A_324 : vector<1x16xf32> to vector<16xf32>
        %swap3A_326 = vector.shape_cast %get3A_321 : vector<16xf32> to vector<1x16xf32>
        tpu.vector_store %arg8[%swap3A_322, %swap3A_323], %swap3A_326 {add = true, strides = array<i32>} : memref<64x768xf32, #tpu.memory_space<vmem>>, vector<1x16xf32>,
        %get3A_327 = arith.index_cast %scan3A_121 : i32 to index
        %get3A_328 = arith.constant 368 : index
        %get3A_329 = tpu.vector_load %arg7[%get3A_327, %get3A_328] {strides = array<i32>} : memref<64x768xf32, #tpu.memory_space<vmem>>, vector<1x16xf32>,
        %get3A_330 = vector.shape_cast %get3A_329 : vector<1x16xf32> to vector<16xf32>
        %swap3A_331 = arith.index_cast %scan3A_121 : i32 to index
        %swap3A_332 = arith.constant 368 : index
        %swap3A_333 = tpu.vector_load %arg8[%swap3A_331, %swap3A_332] {strides = array<i32>} : memref<64x768xf32, #tpu.memory_space<vmem>>, vector<1x16xf32>,
        %swap3A_334 = vector.shape_cast %swap3A_333 : vector<1x16xf32> to vector<16xf32>
        %swap3A_335 = vector.shape_cast %get3A_330 : vector<16xf32> to vector<1x16xf32>
        tpu.vector_store %arg8[%swap3A_331, %swap3A_332], %swap3A_335 {add = true, strides = array<i32>} : memref<64x768xf32, #tpu.memory_space<vmem>>, vector<1x16xf32>,
        %get3A_336 = arith.index_cast %scan3A_121 : i32 to index
        %get3A_337 = arith.constant 384 : index
        %get3A_338 = tpu.vector_load %arg7[%get3A_336, %get3A_337] {strides = array<i32>} : memref<64x768xf32, #tpu.memory_space<vmem>>, vector<1x16xf32>,
        %get3A_339 = vector.shape_cast %get3A_338 : vector<1x16xf32> to vector<16xf32>
        %swap3A_340 = arith.index_cast %scan3A_121 : i32 to index
        %swap3A_341 = arith.constant 384 : index
        %swap3A_342 = tpu.vector_load %arg8[%swap3A_340, %swap3A_341] {strides = array<i32>} : memref<64x768xf32, #tpu.memory_space<vmem>>, vector<1x16xf32>,
        %swap3A_343 = vector.shape_cast %swap3A_342 : vector<1x16xf32> to vector<16xf32>
        %swap3A_344 = vector.shape_cast %get3A_339 : vector<16xf32> to vector<1x16xf32>
        tpu.vector_store %arg8[%swap3A_340, %swap3A_341], %swap3A_344 {add = true, strides = array<i32>} : memref<64x768xf32, #tpu.memory_space<vmem>>, vector<1x16xf32>,
        %get3A_345 = arith.index_cast %scan3A_121 : i32 to index
        %get3A_346 = arith.constant 400 : index
        %get3A_347 = tpu.vector_load %arg7[%get3A_345, %get3A_346] {strides = array<i32>} : memref<64x768xf32, #tpu.memory_space<vmem>>, vector<1x16xf32>,
        %get3A_348 = vector.shape_cast %get3A_347 : vector<1x16xf32> to vector<16xf32>
        %swap3A_349 = arith.index_cast %scan3A_121 : i32 to index
        %swap3A_350 = arith.constant 400 : index
        %swap3A_351 = tpu.vector_load %arg8[%swap3A_349, %swap3A_350] {strides = array<i32>} : memref<64x768xf32, #tpu.memory_space<vmem>>, vector<1x16xf32>,
        %swap3A_352 = vector.shape_cast %swap3A_351 : vector<1x16xf32> to vector<16xf32>
        %swap3A_353 = vector.shape_cast %get3A_348 : vector<16xf32> to vector<1x16xf32>
        tpu.vector_store %arg8[%swap3A_349, %swap3A_350], %swap3A_353 {add = true, strides = array<i32>} : memref<64x768xf32, #tpu.memory_space<vmem>>, vector<1x16xf32>,
        %get3A_354 = arith.index_cast %scan3A_121 : i32 to index
        %get3A_355 = arith.constant 416 : index
        %get3A_356 = tpu.vector_load %arg7[%get3A_354, %get3A_355] {strides = array<i32>} : memref<64x768xf32, #tpu.memory_space<vmem>>, vector<1x16xf32>,
        %get3A_357 = vector.shape_cast %get3A_356 : vector<1x16xf32> to vector<16xf32>
        %swap3A_358 = arith.index_cast %scan3A_121 : i32 to index
        %swap3A_359 = arith.constant 416 : index
        %swap3A_360 = tpu.vector_load %arg8[%swap3A_358, %swap3A_359] {strides = array<i32>} : memref<64x768xf32, #tpu.memory_space<vmem>>, vector<1x16xf32>,
        %swap3A_361 = vector.shape_cast %swap3A_360 : vector<1x16xf32> to vector<16xf32>
        %swap3A_362 = vector.shape_cast %get3A_357 : vector<16xf32> to vector<1x16xf32>
        tpu.vector_store %arg8[%swap3A_358, %swap3A_359], %swap3A_362 {add = true, strides = array<i32>} : memref<64x768xf32, #tpu.memory_space<vmem>>, vector<1x16xf32>,
        %get3A_363 = arith.index_cast %scan3A_121 : i32 to index
        %get3A_364 = arith.constant 432 : index
        %get3A_365 = tpu.vector_load %arg7[%get3A_363, %get3A_364] {strides = array<i32>} : memref<64x768xf32, #tpu.memory_space<vmem>>, vector<1x16xf32>,
        %get3A_366 = vector.shape_cast %get3A_365 : vector<1x16xf32> to vector<16xf32>
        %swap3A_367 = arith.index_cast %scan3A_121 : i32 to index
        %swap3A_368 = arith.constant 432 : index
        %swap3A_369 = tpu.vector_load %arg8[%swap3A_367, %swap3A_368] {strides = array<i32>} : memref<64x768xf32, #tpu.memory_space<vmem>>, vector<1x16xf32>,
        %swap3A_370 = vector.shape_cast %swap3A_369 : vector<1x16xf32> to vector<16xf32>
        %swap3A_371 = vector.shape_cast %get3A_366 : vector<16xf32> to vector<1x16xf32>
        tpu.vector_store %arg8[%swap3A_367, %swap3A_368], %swap3A_371 {add = true, strides = array<i32>} : memref<64x768xf32, #tpu.memory_space<vmem>>, vector<1x16xf32>,
        %get3A_372 = arith.index_cast %scan3A_121 : i32 to index
        %get3A_373 = arith.constant 448 : index
        %get3A_374 = tpu.vector_load %arg7[%get3A_372, %get3A_373] {strides = array<i32>} : memref<64x768xf32, #tpu.memory_space<vmem>>, vector<1x16xf32>,
        %get3A_375 = vector.shape_cast %get3A_374 : vector<1x16xf32> to vector<16xf32>
        %swap3A_376 = arith.index_cast %scan3A_121 : i32 to index
        %swap3A_377 = arith.constant 448 : index
        %swap3A_378 = tpu.vector_load %arg8[%swap3A_376, %swap3A_377] {strides = array<i32>} : memref<64x768xf32, #tpu.memory_space<vmem>>, vector<1x16xf32>,
        %swap3A_379 = vector.shape_cast %swap3A_378 : vector<1x16xf32> to vector<16xf32>
        %swap3A_380 = vector.shape_cast %get3A_375 : vector<16xf32> to vector<1x16xf32>
        tpu.vector_store %arg8[%swap3A_376, %swap3A_377], %swap3A_380 {add = true, strides = array<i32>} : memref<64x768xf32, #tpu.memory_space<vmem>>, vector<1x16xf32>,
        %get3A_381 = arith.index_cast %scan3A_121 : i32 to index
        %get3A_382 = arith.constant 464 : index
        %get3A_383 = tpu.vector_load %arg7[%get3A_381, %get3A_382] {strides = array<i32>} : memref<64x768xf32, #tpu.memory_space<vmem>>, vector<1x16xf32>,
        %get3A_384 = vector.shape_cast %get3A_383 : vector<1x16xf32> to vector<16xf32>
        %swap3A_385 = arith.index_cast %scan3A_121 : i32 to index
        %swap3A_386 = arith.constant 464 : index
        %swap3A_387 = tpu.vector_load %arg8[%swap3A_385, %swap3A_386] {strides = array<i32>} : memref<64x768xf32, #tpu.memory_space<vmem>>, vector<1x16xf32>,
        %swap3A_388 = vector.shape_cast %swap3A_387 : vector<1x16xf32> to vector<16xf32>
        %swap3A_389 = vector.shape_cast %get3A_384 : vector<16xf32> to vector<1x16xf32>
        tpu.vector_store %arg8[%swap3A_385, %swap3A_386], %swap3A_389 {add = true, strides = array<i32>} : memref<64x768xf32, #tpu.memory_space<vmem>>, vector<1x16xf32>,
        %get3A_390 = arith.index_cast %scan3A_121 : i32 to index
        %get3A_391 = arith.constant 480 : index
        %get3A_392 = tpu.vector_load %arg7[%get3A_390, %get3A_391] {strides = array<i32>} : memref<64x768xf32, #tpu.memory_space<vmem>>, vector<1x16xf32>,
        %get3A_393 = vector.shape_cast %get3A_392 : vector<1x16xf32> to vector<16xf32>
        %swap3A_394 = arith.index_cast %scan3A_121 : i32 to index
        %swap3A_395 = arith.constant 480 : index
        %swap3A_396 = tpu.vector_load %arg8[%swap3A_394, %swap3A_395] {strides = array<i32>} : memref<64x768xf32, #tpu.memory_space<vmem>>, vector<1x16xf32>,
        %swap3A_397 = vector.shape_cast %swap3A_396 : vector<1x16xf32> to vector<16xf32>
        %swap3A_398 = vector.shape_cast %get3A_393 : vector<16xf32> to vector<1x16xf32>
        tpu.vector_store %arg8[%swap3A_394, %swap3A_395], %swap3A_398 {add = true, strides = array<i32>} : memref<64x768xf32, #tpu.memory_space<vmem>>, vector<1x16xf32>,
        %get3A_399 = arith.index_cast %scan3A_121 : i32 to index
        %get3A_400 = arith.constant 496 : index
        %get3A_401 = tpu.vector_load %arg7[%get3A_399, %get3A_400] {strides = array<i32>} : memref<64x768xf32, #tpu.memory_space<vmem>>, vector<1x16xf32>,
        %get3A_402 = vector.shape_cast %get3A_401 : vector<1x16xf32> to vector<16xf32>
        %swap3A_403 = arith.index_cast %scan3A_121 : i32 to index
        %swap3A_404 = arith.constant 496 : index
        %swap3A_405 = tpu.vector_load %arg8[%swap3A_403, %swap3A_404] {strides = array<i32>} : memref<64x768xf32, #tpu.memory_space<vmem>>, vector<1x16xf32>,
        %swap3A_406 = vector.shape_cast %swap3A_405 : vector<1x16xf32> to vector<16xf32>
        %swap3A_407 = vector.shape_cast %get3A_402 : vector<16xf32> to vector<1x16xf32>
        tpu.vector_store %arg8[%swap3A_403, %swap3A_404], %swap3A_407 {add = true, strides = array<i32>} : memref<64x768xf32, #tpu.memory_space<vmem>>, vector<1x16xf32>,
        %get3A_408 = arith.index_cast %scan3A_121 : i32 to index
        %get3A_409 = arith.constant 512 : index
        %get3A_410 = tpu.vector_load %arg7[%get3A_408, %get3A_409] {strides = array<i32>} : memref<64x768xf32, #tpu.memory_space<vmem>>, vector<1x16xf32>,
        %get3A_411 = vector.shape_cast %get3A_410 : vector<1x16xf32> to vector<16xf32>
        %swap3A_412 = arith.index_cast %scan3A_121 : i32 to index
        %swap3A_413 = arith.constant 512 : index
        %swap3A_414 = tpu.vector_load %arg8[%swap3A_412, %swap3A_413] {strides = array<i32>} : memref<64x768xf32, #tpu.memory_space<vmem>>, vector<1x16xf32>,
        %swap3A_415 = vector.shape_cast %swap3A_414 : vector<1x16xf32> to vector<16xf32>
        %swap3A_416 = vector.shape_cast %get3A_411 : vector<16xf32> to vector<1x16xf32>
        tpu.vector_store %arg8[%swap3A_412, %swap3A_413], %swap3A_416 {add = true, strides = array<i32>} : memref<64x768xf32, #tpu.memory_space<vmem>>, vector<1x16xf32>,
        %get3A_417 = arith.index_cast %scan3A_121 : i32 to index
        %get3A_418 = arith.constant 528 : index
        %get3A_419 = tpu.vector_load %arg7[%get3A_417, %get3A_418] {strides = array<i32>} : memref<64x768xf32, #tpu.memory_space<vmem>>, vector<1x16xf32>,
        %get3A_420 = vector.shape_cast %get3A_419 : vector<1x16xf32> to vector<16xf32>
        %swap3A_421 = arith.index_cast %scan3A_121 : i32 to index
        %swap3A_422 = arith.constant 528 : index
        %swap3A_423 = tpu.vector_load %arg8[%swap3A_421, %swap3A_422] {strides = array<i32>} : memref<64x768xf32, #tpu.memory_space<vmem>>, vector<1x16xf32>,
        %swap3A_424 = vector.shape_cast %swap3A_423 : vector<1x16xf32> to vector<16xf32>
        %swap3A_425 = vector.shape_cast %get3A_420 : vector<16xf32> to vector<1x16xf32>
        tpu.vector_store %arg8[%swap3A_421, %swap3A_422], %swap3A_425 {add = true, strides = array<i32>} : memref<64x768xf32, #tpu.memory_space<vmem>>, vector<1x16xf32>,
        %get3A_426 = arith.index_cast %scan3A_121 : i32 to index
        %get3A_427 = arith.constant 544 : index
        %get3A_428 = tpu.vector_load %arg7[%get3A_426, %get3A_427] {strides = array<i32>} : memref<64x768xf32, #tpu.memory_space<vmem>>, vector<1x16xf32>,
        %get3A_429 = vector.shape_cast %get3A_428 : vector<1x16xf32> to vector<16xf32>
        %swap3A_430 = arith.index_cast %scan3A_121 : i32 to index
        %swap3A_431 = arith.constant 544 : index
        %swap3A_432 = tpu.vector_load %arg8[%swap3A_430, %swap3A_431] {strides = array<i32>} : memref<64x768xf32, #tpu.memory_space<vmem>>, vector<1x16xf32>,
        %swap3A_433 = vector.shape_cast %swap3A_432 : vector<1x16xf32> to vector<16xf32>
        %swap3A_434 = vector.shape_cast %get3A_429 : vector<16xf32> to vector<1x16xf32>
        tpu.vector_store %arg8[%swap3A_430, %swap3A_431], %swap3A_434 {add = true, strides = array<i32>} : memref<64x768xf32, #tpu.memory_space<vmem>>, vector<1x16xf32>,
        %get3A_435 = arith.index_cast %scan3A_121 : i32 to index
        %get3A_436 = arith.constant 560 : index
        %get3A_437 = tpu.vector_load %arg7[%get3A_435, %get3A_436] {strides = array<i32>} : memref<64x768xf32, #tpu.memory_space<vmem>>, vector<1x16xf32>,
        %get3A_438 = vector.shape_cast %get3A_437 : vector<1x16xf32> to vector<16xf32>
        %swap3A_439 = arith.index_cast %scan3A_121 : i32 to index
        %swap3A_440 = arith.constant 560 : index
        %swap3A_441 = tpu.vector_load %arg8[%swap3A_439, %swap3A_440] {strides = array<i32>} : memref<64x768xf32, #tpu.memory_space<vmem>>, vector<1x16xf32>,
        %swap3A_442 = vector.shape_cast %swap3A_441 : vector<1x16xf32> to vector<16xf32>
        %swap3A_443 = vector.shape_cast %get3A_438 : vector<16xf32> to vector<1x16xf32>
        tpu.vector_store %arg8[%swap3A_439, %swap3A_440], %swap3A_443 {add = true, strides = array<i32>} : memref<64x768xf32, #tpu.memory_space<vmem>>, vector<1x16xf32>,
        %get3A_444 = arith.index_cast %scan3A_121 : i32 to index
        %get3A_445 = arith.constant 576 : index
        %get3A_446 = tpu.vector_load %arg7[%get3A_444, %get3A_445] {strides = array<i32>} : memref<64x768xf32, #tpu.memory_space<vmem>>, vector<1x16xf32>,
        %get3A_447 = vector.shape_cast %get3A_446 : vector<1x16xf32> to vector<16xf32>
        %swap3A_448 = arith.index_cast %scan3A_121 : i32 to index
        %swap3A_449 = arith.constant 576 : index
        %swap3A_450 = tpu.vector_load %arg8[%swap3A_448, %swap3A_449] {strides = array<i32>} : memref<64x768xf32, #tpu.memory_space<vmem>>, vector<1x16xf32>,
        %swap3A_451 = vector.shape_cast %swap3A_450 : vector<1x16xf32> to vector<16xf32>
        %swap3A_452 = vector.shape_cast %get3A_447 : vector<16xf32> to vector<1x16xf32>
        tpu.vector_store %arg8[%swap3A_448, %swap3A_449], %swap3A_452 {add = true, strides = array<i32>} : memref<64x768xf32, #tpu.memory_space<vmem>>, vector<1x16xf32>,
        %get3A_453 = arith.index_cast %scan3A_121 : i32 to index
        %get3A_454 = arith.constant 592 : index
        %get3A_455 = tpu.vector_load %arg7[%get3A_453, %get3A_454] {strides = array<i32>} : memref<64x768xf32, #tpu.memory_space<vmem>>, vector<1x16xf32>,
        %get3A_456 = vector.shape_cast %get3A_455 : vector<1x16xf32> to vector<16xf32>
        %swap3A_457 = arith.index_cast %scan3A_121 : i32 to index
        %swap3A_458 = arith.constant 592 : index
        %swap3A_459 = tpu.vector_load %arg8[%swap3A_457, %swap3A_458] {strides = array<i32>} : memref<64x768xf32, #tpu.memory_space<vmem>>, vector<1x16xf32>,
        %swap3A_460 = vector.shape_cast %swap3A_459 : vector<1x16xf32> to vector<16xf32>
        %swap3A_461 = vector.shape_cast %get3A_456 : vector<16xf32> to vector<1x16xf32>
        tpu.vector_store %arg8[%swap3A_457, %swap3A_458], %swap3A_461 {add = true, strides = array<i32>} : memref<64x768xf32, #tpu.memory_space<vmem>>, vector<1x16xf32>,
        %get3A_462 = arith.index_cast %scan3A_121 : i32 to index
        %get3A_463 = arith.constant 608 : index
        %get3A_464 = tpu.vector_load %arg7[%get3A_462, %get3A_463] {strides = array<i32>} : memref<64x768xf32, #tpu.memory_space<vmem>>, vector<1x16xf32>,
        %get3A_465 = vector.shape_cast %get3A_464 : vector<1x16xf32> to vector<16xf32>
        %swap3A_466 = arith.index_cast %scan3A_121 : i32 to index
        %swap3A_467 = arith.constant 608 : index
        %swap3A_468 = tpu.vector_load %arg8[%swap3A_466, %swap3A_467] {strides = array<i32>} : memref<64x768xf32, #tpu.memory_space<vmem>>, vector<1x16xf32>,
        %swap3A_469 = vector.shape_cast %swap3A_468 : vector<1x16xf32> to vector<16xf32>
        %swap3A_470 = vector.shape_cast %get3A_465 : vector<16xf32> to vector<1x16xf32>
        tpu.vector_store %arg8[%swap3A_466, %swap3A_467], %swap3A_470 {add = true, strides = array<i32>} : memref<64x768xf32, #tpu.memory_space<vmem>>, vector<1x16xf32>,
        %get3A_471 = arith.index_cast %scan3A_121 : i32 to index
        %get3A_472 = arith.constant 624 : index
        %get3A_473 = tpu.vector_load %arg7[%get3A_471, %get3A_472] {strides = array<i32>} : memref<64x768xf32, #tpu.memory_space<vmem>>, vector<1x16xf32>,
        %get3A_474 = vector.shape_cast %get3A_473 : vector<1x16xf32> to vector<16xf32>
        %swap3A_475 = arith.index_cast %scan3A_121 : i32 to index
        %swap3A_476 = arith.constant 624 : index
        %swap3A_477 = tpu.vector_load %arg8[%swap3A_475, %swap3A_476] {strides = array<i32>} : memref<64x768xf32, #tpu.memory_space<vmem>>, vector<1x16xf32>,
        %swap3A_478 = vector.shape_cast %swap3A_477 : vector<1x16xf32> to vector<16xf32>
        %swap3A_479 = vector.shape_cast %get3A_474 : vector<16xf32> to vector<1x16xf32>
        tpu.vector_store %arg8[%swap3A_475, %swap3A_476], %swap3A_479 {add = true, strides = array<i32>} : memref<64x768xf32, #tpu.memory_space<vmem>>, vector<1x16xf32>,
        %get3A_480 = arith.index_cast %scan3A_121 : i32 to index
        %get3A_481 = arith.constant 640 : index
        %get3A_482 = tpu.vector_load %arg7[%get3A_480, %get3A_481] {strides = array<i32>} : memref<64x768xf32, #tpu.memory_space<vmem>>, vector<1x16xf32>,
        %get3A_483 = vector.shape_cast %get3A_482 : vector<1x16xf32> to vector<16xf32>
        %swap3A_484 = arith.index_cast %scan3A_121 : i32 to index
        %swap3A_485 = arith.constant 640 : index
        %swap3A_486 = tpu.vector_load %arg8[%swap3A_484, %swap3A_485] {strides = array<i32>} : memref<64x768xf32, #tpu.memory_space<vmem>>, vector<1x16xf32>,
        %swap3A_487 = vector.shape_cast %swap3A_486 : vector<1x16xf32> to vector<16xf32>
        %swap3A_488 = vector.shape_cast %get3A_483 : vector<16xf32> to vector<1x16xf32>
        tpu.vector_store %arg8[%swap3A_484, %swap3A_485], %swap3A_488 {add = true, strides = array<i32>} : memref<64x768xf32, #tpu.memory_space<vmem>>, vector<1x16xf32>,
        %get3A_489 = arith.index_cast %scan3A_121 : i32 to index
        %get3A_490 = arith.constant 656 : index
        %get3A_491 = tpu.vector_load %arg7[%get3A_489, %get3A_490] {strides = array<i32>} : memref<64x768xf32, #tpu.memory_space<vmem>>, vector<1x16xf32>,
        %get3A_492 = vector.shape_cast %get3A_491 : vector<1x16xf32> to vector<16xf32>
        %swap3A_493 = arith.index_cast %scan3A_121 : i32 to index
        %swap3A_494 = arith.constant 656 : index
        %swap3A_495 = tpu.vector_load %arg8[%swap3A_493, %swap3A_494] {strides = array<i32>} : memref<64x768xf32, #tpu.memory_space<vmem>>, vector<1x16xf32>,
        %swap3A_496 = vector.shape_cast %swap3A_495 : vector<1x16xf32> to vector<16xf32>
        %swap3A_497 = vector.shape_cast %get3A_492 : vector<16xf32> to vector<1x16xf32>
        tpu.vector_store %arg8[%swap3A_493, %swap3A_494], %swap3A_497 {add = true, strides = array<i32>} : memref<64x768xf32, #tpu.memory_space<vmem>>, vector<1x16xf32>,
        %get3A_498 = arith.index_cast %scan3A_121 : i32 to index
        %get3A_499 = arith.constant 672 : index
        %get3A_500 = tpu.vector_load %arg7[%get3A_498, %get3A_499] {strides = array<i32>} : memref<64x768xf32, #tpu.memory_space<vmem>>, vector<1x16xf32>,
        %get3A_501 = vector.shape_cast %get3A_500 : vector<1x16xf32> to vector<16xf32>
        %swap3A_502 = arith.index_cast %scan3A_121 : i32 to index
        %swap3A_503 = arith.constant 672 : index
        %swap3A_504 = tpu.vector_load %arg8[%swap3A_502, %swap3A_503] {strides = array<i32>} : memref<64x768xf32, #tpu.memory_space<vmem>>, vector<1x16xf32>,
        %swap3A_505 = vector.shape_cast %swap3A_504 : vector<1x16xf32> to vector<16xf32>
        %swap3A_506 = vector.shape_cast %get3A_501 : vector<16xf32> to vector<1x16xf32>
        tpu.vector_store %arg8[%swap3A_502, %swap3A_503], %swap3A_506 {add = true, strides = array<i32>} : memref<64x768xf32, #tpu.memory_space<vmem>>, vector<1x16xf32>,
        %get3A_507 = arith.index_cast %scan3A_121 : i32 to index
        %get3A_508 = arith.constant 688 : index
        %get3A_509 = tpu.vector_load %arg7[%get3A_507, %get3A_508] {strides = array<i32>} : memref<64x768xf32, #tpu.memory_space<vmem>>, vector<1x16xf32>,
        %get3A_510 = vector.shape_cast %get3A_509 : vector<1x16xf32> to vector<16xf32>
        %swap3A_511 = arith.index_cast %scan3A_121 : i32 to index
        %swap3A_512 = arith.constant 688 : index
        %swap3A_513 = tpu.vector_load %arg8[%swap3A_511, %swap3A_512] {strides = array<i32>} : memref<64x768xf32, #tpu.memory_space<vmem>>, vector<1x16xf32>,
        %swap3A_514 = vector.shape_cast %swap3A_513 : vector<1x16xf32> to vector<16xf32>
        %swap3A_515 = vector.shape_cast %get3A_510 : vector<16xf32> to vector<1x16xf32>
        tpu.vector_store %arg8[%swap3A_511, %swap3A_512], %swap3A_515 {add = true, strides = array<i32>} : memref<64x768xf32, #tpu.memory_space<vmem>>, vector<1x16xf32>,
        %get3A_516 = arith.index_cast %scan3A_121 : i32 to index
        %get3A_517 = arith.constant 704 : index
        %get3A_518 = tpu.vector_load %arg7[%get3A_516, %get3A_517] {strides = array<i32>} : memref<64x768xf32, #tpu.memory_space<vmem>>, vector<1x16xf32>,
        %get3A_519 = vector.shape_cast %get3A_518 : vector<1x16xf32> to vector<16xf32>
        %swap3A_520 = arith.index_cast %scan3A_121 : i32 to index
        %swap3A_521 = arith.constant 704 : index
        %swap3A_522 = tpu.vector_load %arg8[%swap3A_520, %swap3A_521] {strides = array<i32>} : memref<64x768xf32, #tpu.memory_space<vmem>>, vector<1x16xf32>,
        %swap3A_523 = vector.shape_cast %swap3A_522 : vector<1x16xf32> to vector<16xf32>
        %swap3A_524 = vector.shape_cast %get3A_519 : vector<16xf32> to vector<1x16xf32>
        tpu.vector_store %arg8[%swap3A_520, %swap3A_521], %swap3A_524 {add = true, strides = array<i32>} : memref<64x768xf32, #tpu.memory_space<vmem>>, vector<1x16xf32>,
        %get3A_525 = arith.index_cast %scan3A_121 : i32 to index
        %get3A_526 = arith.constant 720 : index
        %get3A_527 = tpu.vector_load %arg7[%get3A_525, %get3A_526] {strides = array<i32>} : memref<64x768xf32, #tpu.memory_space<vmem>>, vector<1x16xf32>,
        %get3A_528 = vector.shape_cast %get3A_527 : vector<1x16xf32> to vector<16xf32>
        %swap3A_529 = arith.index_cast %scan3A_121 : i32 to index
        %swap3A_530 = arith.constant 720 : index
        %swap3A_531 = tpu.vector_load %arg8[%swap3A_529, %swap3A_530] {strides = array<i32>} : memref<64x768xf32, #tpu.memory_space<vmem>>, vector<1x16xf32>,
        %swap3A_532 = vector.shape_cast %swap3A_531 : vector<1x16xf32> to vector<16xf32>
        %swap3A_533 = vector.shape_cast %get3A_528 : vector<16xf32> to vector<1x16xf32>
        tpu.vector_store %arg8[%swap3A_529, %swap3A_530], %swap3A_533 {add = true, strides = array<i32>} : memref<64x768xf32, #tpu.memory_space<vmem>>, vector<1x16xf32>,
        %get3A_534 = arith.index_cast %scan3A_121 : i32 to index
        %get3A_535 = arith.constant 736 : index
        %get3A_536 = tpu.vector_load %arg7[%get3A_534, %get3A_535] {strides = array<i32>} : memref<64x768xf32, #tpu.memory_space<vmem>>, vector<1x16xf32>,
        %get3A_537 = vector.shape_cast %get3A_536 : vector<1x16xf32> to vector<16xf32>
        %swap3A_538 = arith.index_cast %scan3A_121 : i32 to index
        %swap3A_539 = arith.constant 736 : index
        %swap3A_540 = tpu.vector_load %arg8[%swap3A_538, %swap3A_539] {strides = array<i32>} : memref<64x768xf32, #tpu.memory_space<vmem>>, vector<1x16xf32>,
        %swap3A_541 = vector.shape_cast %swap3A_540 : vector<1x16xf32> to vector<16xf32>
        %swap3A_542 = vector.shape_cast %get3A_537 : vector<16xf32> to vector<1x16xf32>
        tpu.vector_store %arg8[%swap3A_538, %swap3A_539], %swap3A_542 {add = true, strides = array<i32>} : memref<64x768xf32, #tpu.memory_space<vmem>>, vector<1x16xf32>,
        %get3A_543 = arith.index_cast %scan3A_121 : i32 to index
        %get3A_544 = arith.constant 752 : index
        %get3A_545 = tpu.vector_load %arg7[%get3A_543, %get3A_544] {strides = array<i32>} : memref<64x768xf32, #tpu.memory_space<vmem>>, vector<1x16xf32>,
        %get3A_546 = vector.shape_cast %get3A_545 : vector<1x16xf32> to vector<16xf32>
        %swap3A_547 = arith.index_cast %scan3A_121 : i32 to index
        %swap3A_548 = arith.constant 752 : index
        %swap3A_549 = tpu.vector_load %arg8[%swap3A_547, %swap3A_548] {strides = array<i32>} : memref<64x768xf32, #tpu.memory_space<vmem>>, vector<1x16xf32>,
        %swap3A_550 = vector.shape_cast %swap3A_549 : vector<1x16xf32> to vector<16xf32>
        %swap3A_551 = vector.shape_cast %get3A_546 : vector<16xf32> to vector<1x16xf32>
        tpu.vector_store %arg8[%swap3A_547, %swap3A_548], %swap3A_551 {add = true, strides = array<i32>} : memref<64x768xf32, #tpu.memory_space<vmem>>, vector<1x16xf32>,
      }
      %scan3A_120 = arith.constant 64 : i32
      "tpu.region"() ({
        %run_scoped3A = tpu.sem_alloc : memref<!tpu.dma_semaphore, #tpu.memory_space<semaphore_mem>>
        %dma_start3A_121 = arith.constant 0 : i32
        %dma_start3A_122 = tpu.memref_slice %arg5[%scan3A_102, %mul3A_2, %dma_start3A_121] : memref<4x2048x768xf32, #tpu.memory_space<hbm>> -> memref<1x64x768xf32, #tpu.memory_space<hbm>>
        %dma_start3A_123 = tpu.memref_squeeze %dma_start3A_122 : memref<1x64x768xf32, #tpu.memory_space<hbm>> -> memref<64x768xf32, #tpu.memory_space<hbm>>
        %dma_start3A_124 = arith.constant 0 : i32
        %dma_start3A_125 = tpu.memref_slice %arg5[%scan3A_102, %mul3A_2, %dma_start3A_124] : memref<4x2048x768xf32, #tpu.memory_space<hbm>> -> memref<1x64x768xf32, #tpu.memory_space<hbm>>
        %dma_start3A_126 = tpu.memref_squeeze %dma_start3A_125 : memref<1x64x768xf32, #tpu.memory_space<hbm>> -> memref<64x768xf32, #tpu.memory_space<hbm>>
        tpu.enqueue_dma source(%arg8 : memref<64x768xf32, #tpu.memory_space<vmem>>) target(%dma_start3A_126 : memref<64x768xf32, #tpu.memory_space<hbm>>) target_semaphore(%run_scoped3A : memref<!tpu.dma_semaphore, #tpu.memory_space<semaphore_mem>>)
        %dma_wait3A_127 = arith.constant 0 : i32
        %dma_wait3A_128 = tpu.memref_slice %arg5[%scan3A_102, %mul3A_2, %dma_wait3A_127] : memref<4x2048x768xf32, #tpu.memory_space<hbm>> -> memref<1x64x768xf32, #tpu.memory_space<hbm>>
        %dma_wait3A_129 = tpu.memref_squeeze %dma_wait3A_128 : memref<1x64x768xf32, #tpu.memory_space<hbm>> -> memref<64x768xf32, #tpu.memory_space<hbm>>
        %dma_wait3A_130 = arith.constant 0 : i32
        %dma_wait3A_131 = tpu.memref_slice %arg5[%scan3A_102, %mul3A_2, %dma_wait3A_130] : memref<4x2048x768xf32, #tpu.memory_space<hbm>> -> memref<1x64x768xf32, #tpu.memory_space<hbm>>
        %dma_wait3A_132 = tpu.memref_squeeze %dma_wait3A_131 : memref<1x64x768xf32, #tpu.memory_space<hbm>> -> memref<64x768xf32, #tpu.memory_space<hbm>>
        tpu.wait_dma2 semaphore(%run_scoped3A : memref<!tpu.dma_semaphore, #tpu.memory_space<semaphore_mem>>) src(%arg8 : memref<64x768xf32, #tpu.memory_space<vmem>>) dst(%dma_wait3A_132 : memref<64x768xf32, #tpu.memory_space<hbm>>)
        tpu.yield
      }) : () -> ()
    }
    %scan3A_101 = arith.constant 4 : i32
    return
  }
}

</mosaic_0001>

<sc_bundles>
// kernel: _sc_embed.3.cloned.1.call-start
scs
__scs_entry_jumppad:
0x0: {  	(pc) =	sbr.rel $0x88, $3  }
0x1: {  	(tag) =	ssettag $0x0;
	lr =	simm.s32 $0x1  }
0x2: {  	[smem:$0x3F9E] =	sst lr;
	_ =	strace $0xD0000000  }
0x3: {  	_ = 	snop  }
0x4: {  	_ = 	snop  }
0x5: {  	_ = 	snop  }
0x6: {  	_ = 	snop  }
0x7: {  	_ = 	snop  }
__scs_overlays_trampoline_lowered:
0x8: {  	[smem:$0x3FAD] =	sst s0  }
0x9: {  	[smem:$0x3FAE] =	sst s1  }
0xa: {  	[smem:$0x3FAF] =	sst s2  }
0xb: {  	[smem:$0x3FB0] =	sst s3  }
0xc: {  	[smem:$0x3FB1] =	sst s4  }
0xd: {  	[smem:$0x3FB2] =	sst s5  }
0xe: {  	[smem:$0x3FB3] =	sst s6  }
0xf: {  	[smem:$0x3FB4] =	sst s7  }
0x10: {  	[smem:$0x3FB5] =	sst s8  }
0x11: {  	[smem:$0x3FB6] =	sst s9;
	s0 =	simm.s32 @!p0 $0x0  }
0x12: {  	s1 =	sld [smem:$0x3F9C];
	s0 =	simm.s32 @p0 $0x1  }
0x13: {  	[smem:$0x3FB7] =	sst s0;
	s0 =	simm.s32 @!p1 $0x0  }
0x14: {  	s2 =	sld [smem:$0x3F9B];
	s0 =	simm.s32 @p1 $0x1  }
0x15: {  	[smem:$0x3FB8] =	sst s0;
	s0 =	simm.s32 @!p2 $0x0  }
0x16: {  	s3 =	sld [smem:$0x3FDB];
	s0 =	simm.s32 @p2 $0x1  }
0x17: {  	s4 =	simm.s32 $0x1BF5;
	[smem:$0x3FBA] =	sst s0  }
0x18: {  	s0 =	sld [smem:$0x3F9D];
	_ =	swait.ge [sflag:s4], $0x0  }
0x19: {  	s7 =	sld [smem:$0x3F9E]  }
0x1a: {  	s8 =	sadd.s32 $0xFFFFE003, lr  }
0x1b: {  	s9 =	sadd.s32 $0xFFFFFEF7, lr;
	s5 =	simm.s32 $0xFFFFFFFF;
	p2 =	slt.u32 s8, $0xFFFFF086  }
0x1c: {  	p1 =	slt.u32 s9, $0xF7A;
	s5 =	simm.s32 @!p2 $0x0  }
0x1d: {  	s5 =	simm.s32 @p1 $0x1;
	p0 =	seq.s32 s7, s2  }
0x1e: {  	s7 =	smul.u32 @!p0 $0xF7A, s2;
	p2 =	seq.s32 @!p0 s5, $0x0  }
0x1f: {  	s9 =	smul.u32 $0xF7A, s1;
	s8 =	simm.s32 @!p0 $0x1BF5;
	p2 =	por !p2, p0  }
0x20: {  	[sflag:s8] =	ssyncset.s32 @!p0 $0xFFFFF086;
	s6 =	sadd.s32 @!p0 s3, s7;
	s7 =	simm.s32 @!p0 $0x108  }
0x21: {  	s3 =	sadd.s32 s3, s9;
	s6 =	sadd.s32 @!p0 $0x88, s6;
	s7 =	simm.s32 @p2 $0x1082  }
0x22: {  	[simem:s7], [sflag:s8] =	dma.local @!p0 [hbm:s6], $0xF7A  }
0x23: {  	s9 =	sor.u32 $0xD0000000, s2;
	s6 =	simm.s32 $0x108;
	_ =	swait.ge @!p0 [sflag:s8], $0x0  }
0x24: {  	s3 =	sadd.s32 $0x88, s3;
	s6 =	simm.s32 @!p1 $0x1082;
	[sflag:s4] =	ssyncset.s32 $0xFFFFF086  }
0x25: {  	[simem:s6], [sflag:s4] =	dma.local [hbm:s3], $0xF7A  }
0x26: {  	[smem:$0x3F9E] =	sst s1;
	(tag) =	ssettag s2;
	_ =	strace s9  }
0x27: {  	s1 =	sld [smem:$0x3FAE]  }
0x28: {  	s2 =	sld [smem:$0x3FAF]  }
0x29: {  	s4 =	sld [smem:$0x3FB1]  }
0x2a: {  	p0 =	seq.s32 s5, $0x0;
	s5 =	sld [smem:$0x3FB2]  }
0x2b: {  	s6 =	sld [smem:$0x3FB3]  }
0x2c: {  	s7 =	sld [smem:$0x3FB4]  }
0x2d: {  	s3 =	simm.s32 $0x108;
	s8 =	sld [smem:$0x3FB5]  }
0x2e: {  	s3 =	simm.s32 @!p0 $0x1082;
	s9 =	sld [smem:$0x3FB6]  }
0x2f: {  	lr =	sadd.s32 s0, s3;
	s0 =	sld [smem:$0x3FAD]  }
0x30: {  	s3 =	sld [smem:$0x3FB0]  }
0x31: {  	[smem:$0x3FB9] =	sst s10  }
0x32: {  	s10 =	sld [smem:$0x3FB7];
	_ =	sdelay $0x3  }
0x33: {  	p0 =	seq.s32 s10, $0x1;
	s10 =	sld [smem:$0x3FB9];
	_ =	sdelay $0x3  }
0x34: {  	[smem:$0x3FB9] =	sst s10  }
0x35: {  	s10 =	sld [smem:$0x3FB8];
	_ =	sdelay $0x3  }
0x36: {  	p1 =	seq.s32 s10, $0x1;
	s10 =	sld [smem:$0x3FB9];
	_ =	sdelay $0x3  }
0x37: {  	[smem:$0x3FB9] =	sst s10  }
0x38: {  	s10 =	sld [smem:$0x3FBA]  }
0x39: {  	_ = 	snop;
	(pc) =	sbr.ind lr, $3  }
0x3a: {  	_ = 	snop  }
0x3b: {  	_ = 	snop  }
0x3c: {  	p2 =	seq.s32 s10, $0x1;
	s10 =	sld [smem:$0x3FB9]  }
0x3d: {  	_ =	shalt  }
0x3e: {  	_ =	shalt  }
0x3f: {  	_ =	shalt  }
0x40: {  	_ =	shalt  }
0x41: {  	_ =	shalt  }
0x42: {  	_ =	shalt  }
0x43: {  	_ =	shalt  }
0x44: {  	_ =	shalt  }
0x45: {  	_ =	shalt  }
0x46: {  	_ =	shalt  }
0x47: {  	_ =	shalt  }
0x48: {  	_ =	shalt  }
0x49: {  	_ =	shalt  }
0x4a: {  	_ =	shalt  }
0x4b: {  	_ =	shalt  }
0x4c: {  	_ =	shalt  }
0x4d: {  	_ =	shalt  }
0x4e: {  	_ =	shalt  }
0x4f: {  	_ =	shalt  }
0x50: {  	_ =	shalt  }
0x51: {  	_ =	shalt  }
0x52: {  	_ =	shalt  }
0x53: {  	_ =	shalt  }
0x54: {  	_ =	shalt  }
0x55: {  	_ =	shalt  }
0x56: {  	_ =	shalt  }
0x57: {  	_ =	shalt  }
0x58: {  	_ =	shalt  }
0x59: {  	_ =	shalt  }
0x5a: {  	_ =	shalt  }
0x5b: {  	_ =	shalt  }
0x5c: {  	_ =	shalt  }
0x5d: {  	_ =	shalt  }
0x5e: {  	_ =	shalt  }
0x5f: {  	_ =	shalt  }
0x60: {  	_ =	shalt  }
0x61: {  	_ =	shalt  }
0x62: {  	_ =	shalt  }
0x63: {  	_ =	shalt  }
0x64: {  	_ =	shalt  }
0x65: {  	_ =	shalt  }
0x66: {  	_ =	shalt  }
0x67: {  	_ =	shalt  }
0x68: {  	_ =	shalt  }
0x69: {  	_ =	shalt  }
0x6a: {  	_ =	shalt  }
0x6b: {  	_ =	shalt  }
0x6c: {  	_ =	shalt  }
0x6d: {  	_ =	shalt  }
0x6e: {  	_ =	shalt  }
0x6f: {  	_ =	shalt  }
0x70: {  	_ =	shalt  }
0x71: {  	_ =	shalt  }
0x72: {  	_ =	shalt  }
0x73: {  	_ =	shalt  }
0x74: {  	_ =	shalt  }
0x75: {  	_ =	shalt  }
0x76: {  	_ =	shalt  }
0x77: {  	_ =	shalt  }
0x78: {  	_ =	shalt  }
0x79: {  	_ =	shalt  }
0x7a: {  	_ =	shalt  }
0x7b: {  	_ =	shalt  }
0x7c: {  	_ =	shalt  }
0x7d: {  	_ =	shalt  }
0x7e: {  	_ =	shalt  }
0x7f: {  	_ =	shalt  }
0x80: {  	_ =	shalt  }
0x81: {  	_ =	shalt  }
0x82: {  	_ =	shalt  }
0x83: {  	_ =	shalt  }
0x84: {  	_ =	shalt  }
0x85: {  	_ =	shalt  }
0x86: {  	_ =	shalt  }
0x87: {  	_ =	shalt  }
.Lfunc_end0:
.L_simem_size_0:
called_computation_lowered:
.L_overlay_start_0:
0x88: {  	s2 =	sld [smem:$0x3FD9]  }
0x89: {  	s3 =	sld [smem:$0x3FFE];
	_ =	sdelay $0x1  }
0x8a: {  	s1 =	srdreg.scid  }
0x8b: {  	s0 =	sand.u32 $0x1, s1  }
0x8c: {  	s18 =	sshll.u32 s0, $0xA;
	s2 =	sadd.s32 s3, s2  }
0x8d: {  	s2 =	sadd.s32 s2, s18  }
0x8e: {  	[smem:$0x3FC5] =	sst s2  }
0x8f: {  	_ = 	snop  }
0x90: {  	s2 =	sld [smem:$0x3FC9]  }
0x91: {  	s19 =	sld [smem:$0x3FC8]  }
0x92: {  	s4 =	sld [smem:$0x3FC7]  }
0x93: {  	s5 =	sld [smem:$0x3FD0];
	(tm) =	ssettm $0x1  }
0x94: {  	s6 =	sld [smem:$0x3FFB];
	_ =	sdelay $0x3  }
0x95: {  	_ =	strace s6  }
0x96: {  	s6 =	sld [smem:$0x3FFC];
	_ =	sdelay $0x3  }
0x97: {  	_ =	strace s6  }
0x98: {  	s6 =	sld [smem:$0x3FFD];
	_ =	sdelay $0x3  }
0x99: {  	_ =	strace s6  }
0x9a: {  	_ =	strace $0x8FFFFFFF  }
0x9b: {  	s20 =	sld [smem:$0x3FDB];
	_ =	sdelay $0x1  }
0x9c: {  	s7 =	simm.s32 $_scs_section_size  }
0x9d: {  	s8 =	simm.s32 $_size__tile_overlayer_lowered;
	s9 =	simm.s32 $_tile_overlayer_lowered  }
0x9e: {  	s23 =	simm.s32 $0x1BFF;
	s22 =	sshll.u32 s9, $0x1;
	s6 =	sadd.s32 s7, s20  }
0x9f: {  	s10 =	simm.s32 $0x0;
	s21 =	sshll.u32 s8, $0x1;
	s8 =	sadd.s32 s22, s6  }
0xa0: {  	[timem:s10], [sflag:s23] =	dma.local [hbm:s8], s21  }
0xa1: {  	_ =	swait.ge [sflag:s23], s21  }
0xa2: {  	s7 =	ssub.s32 $0x0, s21;
	[sflag:s23] =	ssyncset.done $0x0  }
0xa3: {  	[sflag:s23] =	ssyncadd.s32 s7;
	_ =	sdelay $0x1  }
0xa4: {  	s24 =	simm.s32 $0x1B8B  }
0xa5: {  	_ =	swait.ge [sflag:s24], $0x1  }
0xa6: {  	[sflag:s24] =	ssyncset.done $0x0  }
0xa7: {  	s25 =	simm.s32 $0x1B8E;
	[sflag:s24] =	ssyncadd.s32 $0xFFFFFFFF  }
0xa8: {  	s26 =	simm.s32 $execute0_lowered;
	[smem:$0x3FD2] =	sst s25  }
0xa9: {  	s7 =	sshll.u32 s26, $0x1;
	_ =	strace $0x80000046;
	[dreg:$0x1] =	wrdreg $0xFFFFFFFF  }
0xaa: {  	s28 =	simm.s32 $_size_execute0_lowered;
	s6 =	sadd.s32 s6, s7;
	[dreg:$0x0] =	wrdreg $0x0  }
0xab: {  	s7 =	sshll.u32 s28, $0x1;
	[dreg:$0x2] =	wrdreg s6  }
0xac: {  	[dreg:$0x3] =	wrdreg s7  }
0xad: {  	[dreg:$0x4] =	wrdreg $0xC0  }
0xae: {  	_ =	task [dreg:s10], $0x5FFFF  }
0xaf: {  	[dreg:$0x1] =	wrdreg $0xFFFFFFFF  }
0xb0: {  	[dreg:$0x0] =	wrdreg $0x60  }
0xb1: {  	[dreg:$0x2] =	wrdreg s2  }
0xb2: {  	[dreg:$0x3] =	wrdreg s19  }
0xb3: {  	[dreg:$0x4] =	wrdreg s4  }
0xb4: {  	[dreg:$0x5] =	wrdreg s5  }
0xb5: {  	[dreg:$0x6] =	wrdreg $0x9  }
0xb6: {  	_ =	task.clear_ibuf [dreg:s10], $0x7FFFF;
	_ =	strace $0x90000046  }
0xb7: {  	s29 =	simm.s32 $0x9;
	_ =	strace $0x80000048  }
0xb8: {  	_ =	swait.ge [sflag:s29], $0x1  }
0xb9: {  	[sflag:s29] =	ssyncadd.s32 $0xFFFFFFFF  }
0xba: {  	_ =	strace $0x90000048  }
0xbb: {  	_ =	sfence  }
0xbc: {  	s30 =	sld [smem:$0x0];
	_ =	sdelay $0x2  }
0xbd: {  	s31 =	sshll.u32 s1, $0xD;
	s1 =	sshrl.u32 s1, $0x2  }
0xbe: {  	s3 =	sand.u32 $0x4000, s31;
	s1 =	sadd.s32 s1, s30  }
0xbf: {  	s0 =	sor.u32 s3, s0;
	s1 =	sshll.u32 s1, $0x11  }
0xc0: {  	s0 =	sor.u32 s1, s0  }
0xc1: {  	s0 =	sadd.s32 $0x8F2B, s0  }
0xc2: {  	[sflag:s0] =	ssyncadd.remote.s32 $0x1  }
0xc3: {  	_ =	sfence.sel $0xFFFF  }
0xc4: {  	[dreg:$0x0] =	wrdreg $0xFFFFFFFF;
	(pc) =	sbr.abs _section_cstart, $3  }
0xc5: {  	[dreg:$0x1] =	wrdreg $0xFFFFFFFF  }
0xc6: {  	_ =	task.clear_ibuf [dreg:s10], $0x2FFFF;
	_ =	strace $0x9FFFFFFF  }
0xc7: {  	(tm) =	ssettm $0x7FFFFFFF  }
tec
execute0_lowered:
.L_overlay_start_1:
0x0: {  	(tag) =	ssettag $0x1  }
0x1: {  	s0 =	rddreg [dreg:$0x0];
	s2 =	srdreg.scid  }
0x2: {  	s1 =	rddreg [dreg:$0x1];
	s4 =	stileid.u32  }
0x3: {  	s3 =	rddreg [dreg:$0x2];
	s18 =	simm.s32 $0x2;
	s19 =	simm.s32 $0x1  }
0x4: {  	s20 =	simm.s32 $0xC200;
	s28 =	simm.s32 $0xFA00;
	s29 =	simm.s32 $0x10200  }
0x5: {  	s30 =	simm.s32 $0x10A00;
	s31 =	simm.s32 $0x11200;
	s14 =	simm.s32 $0x12A00  }
0x6: {  	s15 =	simm.s32 $0x13200;
	s16 =	simm.s32 $0x13A00;
	s17 =	simm.s32 $0x14200  }
0x7: {  	s10 =	simm.s32 $0x16200;
	s13 =	simm.s32 $0x16A00;
	s2 =	sand.u32 $0x1, s2  }
0x8: {  	s4 =	sshll.u32 s4, $0x7;
	s11 =	sadd.s32 $0x100, s1;
	s5 =	sshll.u32 s2, $0x6  }
0x9: {  	s12 =	sadd.s32 $0x200, s1;
	s2 =	ssub.s32 $0x2, s2;
	s6 =	sor.u32 s5, s4  }
0xa: {  	s4 =	simm.s32 $0x0;
	s9 =	sshrl.u32 s2, $0x1;
	s7 =	sshll.u32 s6, $0x2  }
0xb: {  	[smem:$0x7FF] =	sst s4;
	s6 =	sshrl.u32 s6, $0x3;
	s2 =	ssub.s32 s2, s9  }
0xc: {  	s9 =	simm.s32 $0x15A00;
	s8 =	sand.u32 $0x1E00, s7;
	_ =	strace $0x80000047  }
0xd: {  	s6 =	smul.u32 $0x1800, s6;
	s26 =	smax.u32 s2, $0x1;
	s2 =	simm.s32 $0x11A00  }
0xe: {  	s8 =	sor.u32 s5, s8;
	s5 =	sor.u32 s5, s7;
	[dreg:$0xa] =	wrdreg s26  }
0xf: {  	s8 =	sshrl.u32 s8, $0x3;
	s5 =	sshrl.u32 s5, $0x3;
	s24 =	sshrl.u32 s6, $0x3  }
0x10: {  	s22 =	sadd.s32 s0, s8;
	s23 =	sor.u32 $0x20, s5;
	s5 =	sor.u32 $0x30, s5  }
0x11: {  	s25 =	sadd.s32 s3, s24;
	s8 =	simm.s32 $0x15200;
	[dreg:$0x5] =	wrdreg s22  }
0x12: {  	s3 =	simm.s32 $0x17A00;
	s7 =	sadd.s32 $0x10, s22;
	[dreg:$0x9] =	wrdreg s25  }
0x13: {  	v2 =	vlaneseq.u32;
	s22 =	simm.s32 $0x0;
	[dreg:$0x6] =	wrdreg s7;
	s7 =	sadd.s32 s0, s23  }
0x14: {  	vm0 =	vmmov $0xffff;
	v1 =	vshrl.u32 v2, $0x3;
	s0 =	sadd.s32 s0, s5;
	s5 =	simm.s32 $0x17200;
	[dreg:$0x7] =	wrdreg s7  }
0x15: {  	v0 =	vand.u32 $0x7, v2;
	v2 =	vor.u32 $0x8, v2;
	v1 =	vmul.u32 $0x8, v1;
	[dreg:$0x8] =	wrdreg s0;
	s0 =	simm.s32 $0x12200;
	s7 =	simm.s32 $0x14A00  }
.LBB2_1:
0x16: {  	[dreg:$0xb] =	wrdreg s22  }
0x17: {  	s21 =	rddreg [dreg:$0x5]  }
0x18: {  	[tilespmem:s4], [sflag:$0x1] =	stream.linear.gather [hbm4b:s21+s4], $0x40, $0x38;
	[tilespmem:$0x18200] =	vst v63  }
0x19: {  	s23 =	rddreg [dreg:$0x6];
	s24 =	simm.s32 $0x80  }
0x1a: {  	[tilespmem:s24], [sflag:$0x1] =	stream.linear.gather [hbm4b:s23+s4], $0x40, $0x38;
	[tilespmem:$0x18200] =	vst v63  }
0x1b: {  	s25 =	rddreg [dreg:$0x7];
	s26 =	simm.s32 $0x100  }
0x1c: {  	[tilespmem:s26], [sflag:$0x1] =	stream.linear.gather [hbm4b:s25+s4], $0x40, $0x38;
	[tilespmem:$0x18200] =	vst v63  }
0x1d: {  	s23 =	rddreg [dreg:$0x8];
	s24 =	simm.s32 $0x180  }
0x1e: {  	[tilespmem:s24], [sflag:$0x1] =	stream.linear.gather [hbm4b:s23+s4], $0x40, $0x38;
	[tilespmem:$0x18200] =	vst v63  }
0x1f: {  	s25 =	rddreg [dreg:$0x9];
	s26 =	simm.s32 $0x200  }
0x20: {  	[tilespmem:s26], [sflag:$0x2] =	stream.linear.gather [hbm4b:s25+s4], $0xC000, $0x38;
	[tilespmem:$0x18200] =	vst v63  }
0x21: {  	_ =	swait.ge [sflag:s18], $0xC000  }
0x22: {  	[sflag:s18] =	ssyncset.done $0x0  }
0x23: {  	[sflag:s18] =	ssyncadd.s32 $0xFFFF4000  }
0x24: {  	_ =	swait.ge [sflag:s19], $0x40  }
0x25: {  	[sflag:s19] =	ssyncset.done $0x0  }
0x26: {  	[sflag:s19] =	ssyncadd.s32 $0xFFFFFFC0  }
0x27: {  	_ =	swait.ge [sflag:s19], $0x40  }
0x28: {  	[sflag:s19] =	ssyncset.done $0x0  }
0x29: {  	[sflag:s19] =	ssyncadd.s32 $0xFFFFFFC0  }
0x2a: {  	_ =	swait.ge [sflag:s19], $0x40  }
0x2b: {  	[sflag:s19] =	ssyncset.done $0x0  }
0x2c: {  	[sflag:s19] =	ssyncadd.s32 $0xFFFFFFC0  }
0x2d: {  	_ =	swait.ge [sflag:s19], $0x40  }
0x2e: {  	[sflag:s19] =	ssyncset.done $0x0  }
0x2f: {  	s21 =	simm.s32 $0x0;
	[sflag:s19] =	ssyncadd.s32 $0xFFFFFFC0  }
.LBB2_2:
0x30: {  	s22 =	sshll.u32 s21, $0x7  }
0x31: {  	s23 =	sand.u32 $0x3FFFFF80, s22  }
0x32: {  	v3 =	vld [tilespmem:s23+$0x0];
	_ =	sdelay $0x4  }
0x33: {  	v4 =	vshrl.u32 v3, $0x3  }
0x34: {  	v4 =	vmul.u32 $0x30, v4  }
0x35: {  	v3 =	vand.u32 $0x7, v3  }
0x36: {  	v3 =	vor.u32 v3, v4  }
0x37: {  	v4 =	vperm.xlane v3, v0;
	_ =	sdelay $0x1  }
0x38: {  	v4 =	vadd.s32 v1, v4;
	_ =	sdelay $0x3  }
0x39: {  	s22 =	simm.s32 $0x0;
	v3 =	vperm.xlane v3, v2  }
0x3a: {  	[tilespmem:s20], [sflag:$0x1] =	stream.indirect_vreg.gather [hbm4b:s1+s22], $0x80, v4, vm0, $0xb8;
	[tilespmem:$0x18200] =	vst v63  }
0x3b: {  	s24 =	simm.s32 $0xCA00;
	v3 =	vadd.s32 v1, v3  }
0x3c: {  	[tilespmem:s24], [sflag:$0x1] =	stream.indirect_vreg.gather [hbm4b:s11+s22], $0x80, v4, vm0, $0xb8;
	[tilespmem:$0x18200] =	vst v63  }
0x3d: {  	s26 =	simm.s32 $0xD200  }
0x3e: {  	[tilespmem:s26], [sflag:$0x1] =	stream.indirect_vreg.gather [hbm4b:s12+s22], $0x80, v4, vm0, $0xb8;
	[tilespmem:$0x18200] =	vst v63  }
0x3f: {  	s25 =	simm.s32 $0xDA00  }
0x40: {  	[tilespmem:s25], [sflag:$0x1] =	stream.indirect_vreg.gather [hbm4b:s1+s22], $0x80, v3, vm0, $0xb8;
	[tilespmem:$0x18200] =	vst v63  }
0x41: {  	s26 =	simm.s32 $0xE200  }
0x42: {  	[tilespmem:s26], [sflag:$0x1] =	stream.indirect_vreg.gather [hbm4b:s11+s22], $0x80, v3, vm0, $0xb8;
	[tilespmem:$0x18200] =	vst v63  }
0x43: {  	s25 =	simm.s32 $0xEA00  }
0x44: {  	[tilespmem:s25], [sflag:$0x1] =	stream.indirect_vreg.gather [hbm4b:s12+s22], $0x80, v3, vm0, $0xb8;
	[tilespmem:$0x18200] =	vst v63  }
0x45: {  	v3 =	vld [tilespmem:s23+$0x10];
	_ =	sdelay $0x4  }
0x46: {  	v4 =	vshrl.u32 v3, $0x3  }
0x47: {  	v4 =	vmul.u32 $0x30, v4  }
0x48: {  	v3 =	vand.u32 $0x7, v3  }
0x49: {  	v3 =	vor.u32 v3, v4  }
0x4a: {  	v4 =	vperm.xlane v3, v0;
	_ =	sdelay $0x1  }
0x4b: {  	v4 =	vadd.s32 v1, v4;
	_ =	sdelay $0x3  }
0x4c: {  	s26 =	simm.s32 $0xF200;
	v3 =	vperm.xlane v3, v2  }
0x4d: {  	[tilespmem:s26], [sflag:$0x1] =	stream.indirect_vreg.gather [hbm4b:s1+s22], $0x80, v4, vm0, $0xb8;
	[tilespmem:$0x18200] =	vst v63  }
0x4e: {  	v3 =	vadd.s32 v1, v3  }
0x4f: {  	[tilespmem:s28], [sflag:$0x1] =	stream.indirect_vreg.gather [hbm4b:s11+s22], $0x80, v4, vm0, $0xb8;
	[tilespmem:$0x18200] =	vst v63  }
0x50: {  	_ = 	snop  }
0x51: {  	[tilespmem:s29], [sflag:$0x1] =	stream.indirect_vreg.gather [hbm4b:s12+s22], $0x80, v4, vm0, $0xb8;
	[tilespmem:$0x18200] =	vst v63  }
0x52: {  	_ = 	snop  }
0x53: {  	[tilespmem:s30], [sflag:$0x1] =	stream.indirect_vreg.gather [hbm4b:s1+s22], $0x80, v3, vm0, $0xb8;
	[tilespmem:$0x18200] =	vst v63  }
0x54: {  	_ = 	snop  }
0x55: {  	[tilespmem:s31], [sflag:$0x1] =	stream.indirect_vreg.gather [hbm4b:s11+s22], $0x80, v3, vm0, $0xb8;
	[tilespmem:$0x18200] =	vst v63  }
0x56: {  	_ = 	snop  }
0x57: {  	[tilespmem:s2], [sflag:$0x1] =	stream.indirect_vreg.gather [hbm4b:s12+s22], $0x80, v3, vm0, $0xb8;
	[tilespmem:$0x18200] =	vst v63  }
0x58: {  	v3 =	vld [tilespmem:s23+$0x20];
	_ =	sdelay $0x4  }
0x59: {  	v4 =	vshrl.u32 v3, $0x3  }
0x5a: {  	v4 =	vmul.u32 $0x30, v4  }
0x5b: {  	v3 =	vand.u32 $0x7, v3  }
0x5c: {  	v3 =	vor.u32 v3, v4  }
0x5d: {  	v4 =	vperm.xlane v3, v0;
	_ =	sdelay $0x1  }
0x5e: {  	v4 =	vadd.s32 v1, v4;
	_ =	sdelay $0x3  }
0x5f: {  	v3 =	vperm.xlane v3, v2  }
0x60: {  	[tilespmem:s0], [sflag:$0x1] =	stream.indirect_vreg.gather [hbm4b:s1+s22], $0x80, v4, vm0, $0xb8;
	[tilespmem:$0x18200] =	vst v63  }
0x61: {  	v3 =	vadd.s32 v1, v3  }
0x62: {  	[tilespmem:s14], [sflag:$0x1] =	stream.indirect_vreg.gather [hbm4b:s11+s22], $0x80, v4, vm0, $0xb8;
	[tilespmem:$0x18200] =	vst v63  }
0x63: {  	_ = 	snop  }
0x64: {  	[tilespmem:s15], [sflag:$0x1] =	stream.indirect_vreg.gather [hbm4b:s12+s22], $0x80, v4, vm0, $0xb8;
	[tilespmem:$0x18200] =	vst v63  }
0x65: {  	_ = 	snop  }
0x66: {  	[tilespmem:s16], [sflag:$0x1] =	stream.indirect_vreg.gather [hbm4b:s1+s22], $0x80, v3, vm0, $0xb8;
	[tilespmem:$0x18200] =	vst v63  }
0x67: {  	_ = 	snop  }
0x68: {  	[tilespmem:s17], [sflag:$0x1] =	stream.indirect_vreg.gather [hbm4b:s11+s22], $0x80, v3, vm0, $0xb8;
	[tilespmem:$0x18200] =	vst v63  }
0x69: {  	_ = 	snop  }
0x6a: {  	[tilespmem:s7], [sflag:$0x1] =	stream.indirect_vreg.gather [hbm4b:s12+s22], $0x80, v3, vm0, $0xb8;
	[tilespmem:$0x18200] =	vst v63  }
0x6b: {  	v3 =	vld [tilespmem:s23+$0x30];
	_ =	sdelay $0x4  }
0x6c: {  	v4 =	vshrl.u32 v3, $0x3  }
0x6d: {  	v4 =	vmul.u32 $0x30, v4  }
0x6e: {  	v3 =	vand.u32 $0x7, v3  }
0x6f: {  	v3 =	vor.u32 v3, v4  }
0x70: {  	v4 =	vperm.xlane v3, v0;
	_ =	sdelay $0x1  }
0x71: {  	v4 =	vadd.s32 v1, v4;
	_ =	sdelay $0x3  }
0x72: {  	v3 =	vperm.xlane v3, v2  }
0x73: {  	[tilespmem:s8], [sflag:$0x1] =	stream.indirect_vreg.gather [hbm4b:s1+s22], $0x80, v4, vm0, $0xb8;
	[tilespmem:$0x18200] =	vst v63  }
0x74: {  	v3 =	vadd.s32 v1, v3  }
0x75: {  	[tilespmem:s9], [sflag:$0x1] =	stream.indirect_vreg.gather [hbm4b:s11+s22], $0x80, v4, vm0, $0xb8;
	[tilespmem:$0x18200] =	vst v63  }
0x76: {  	_ = 	snop  }
0x77: {  	[tilespmem:s10], [sflag:$0x1] =	stream.indirect_vreg.gather [hbm4b:s12+s22], $0x80, v4, vm0, $0xb8;
	[tilespmem:$0x18200] =	vst v63  }
0x78: {  	_ = 	snop  }
0x79: {  	[tilespmem:s13], [sflag:$0x1] =	stream.indirect_vreg.gather [hbm4b:s1+s22], $0x80, v3, vm0, $0xb8;
	[tilespmem:$0x18200] =	vst v63  }
0x7a: {  	_ = 	snop  }
0x7b: {  	[tilespmem:s5], [sflag:$0x1] =	stream.indirect_vreg.gather [hbm4b:s11+s22], $0x80, v3, vm0, $0xb8;
	[tilespmem:$0x18200] =	vst v63  }
0x7c: {  	s25 =	simm.s32 $0x0  }
0x7d: {  	[tilespmem:s3], [sflag:$0x1] =	stream.indirect_vreg.gather [hbm4b:s12+s22], $0x80, v3, vm0, $0xb8;
	[tilespmem:$0x18200] =	vst v63  }
0x7e: {  	s23 =	smul.u32 $0x1800, s25;
	_ =	swait.ge [sflag:s19], $0xC000  }
0x7f: {  	s26 =	sand.u32 $0x380, s22;
	[sflag:s19] =	ssyncset.done $0x0  }
0x80: {  	s23 =	sor.u32 s26, s23;
	[sflag:s19] =	ssyncadd.s32 $0xFFFF4000  }
0x81: {  	v3 =	vld [tilespmem:s23+$0x1670]  }
0x82: {  	v6 =	vld [tilespmem:s23+$0x200]  }
0x83: {  	v7 =	vld [tilespmem:s23+$0x210]  }
0x84: {  	v8 =	vld [tilespmem:s23+$0x220]  }
0x85: {  	v9 =	vld [tilespmem:s23+$0x230]  }
0x86: {  	v10 =	vld [tilespmem:s23+$0x240]  }
0x87: {  	v11 =	vld [tilespmem:s23+$0x250]  }
0x88: {  	v12 =	vld [tilespmem:s23+$0x260]  }
0x89: {  	v13 =	vld [tilespmem:s23+$0x270]  }
0x8a: {  	v14 =	vld [tilespmem:s23+$0x600]  }
0x8b: {  	v15 =	vld [tilespmem:s23+$0x610]  }
0x8c: {  	v16 =	vld [tilespmem:s23+$0x620]  }
0x8d: {  	v17 =	vld [tilespmem:s23+$0x630]  }
0x8e: {  	v18 =	vld [tilespmem:s23+$0x640]  }
0x8f: {  	v19 =	vld [tilespmem:s23+$0x650]  }
0x90: {  	v20 =	vld [tilespmem:s23+$0x660]  }
0x91: {  	v21 =	vld [tilespmem:s23+$0x670]  }
0x92: {  	v22 =	vld [tilespmem:s23+$0xA00]  }
0x93: {  	v23 =	vld [tilespmem:s23+$0xA10]  }
0x94: {  	v24 =	vld [tilespmem:s23+$0xA20]  }
0x95: {  	v25 =	vld [tilespmem:s23+$0xA30]  }
0x96: {  	v26 =	vld [tilespmem:s23+$0xA40]  }
0x97: {  	v27 =	vld [tilespmem:s23+$0xA50]  }
0x98: {  	v28 =	vld [tilespmem:s23+$0xA60]  }
0x99: {  	v29 =	vld [tilespmem:s23+$0xA70]  }
0x9a: {  	v30 =	vld [tilespmem:s23+$0xE00]  }
0x9b: {  	v31 =	vld [tilespmem:s23+$0xE10]  }
0x9c: {  	v32 =	vld [tilespmem:s23+$0xE20]  }
0x9d: {  	v33 =	vld [tilespmem:s23+$0xE30]  }
0x9e: {  	v34 =	vld [tilespmem:s23+$0xE40]  }
0x9f: {  	v35 =	vld [tilespmem:s23+$0xE50]  }
0xa0: {  	v36 =	vld [tilespmem:s23+$0xE60]  }
0xa1: {  	v37 =	vld [tilespmem:s23+$0xE70]  }
0xa2: {  	v38 =	vld [tilespmem:s23+$0x1200]  }
0xa3: {  	v39 =	vld [tilespmem:s23+$0x1210]  }
0xa4: {  	v40 =	vld [tilespmem:s23+$0x1220]  }
0xa5: {  	v41 =	vld [tilespmem:s23+$0x1230]  }
0xa6: {  	v42 =	vld [tilespmem:s23+$0x1240]  }
0xa7: {  	v43 =	vld [tilespmem:s23+$0x1250]  }
0xa8: {  	v44 =	vld [tilespmem:s23+$0x1260]  }
0xa9: {  	v45 =	vld [tilespmem:s23+$0x1270]  }
0xaa: {  	v46 =	vld [tilespmem:s23+$0x1600]  }
0xab: {  	v47 =	vld [tilespmem:s23+$0x1610]  }
0xac: {  	v48 =	vld [tilespmem:s23+$0x1620]  }
0xad: {  	v49 =	vld [tilespmem:s23+$0x1630]  }
0xae: {  	v5 =	vld [tilespmem:s23+$0x1640]  }
0xaf: {  	v4 =	vld [tilespmem:s23+$0x1650]  }
0xb0: {  	[tilespmem:s23+$0xD670] =	vst.add.f32.msk $0xffff, v3  }
0xb1: {  	v3 =	vld [tilespmem:s23+$0x1660]  }
0xb2: {  	[tilespmem:s23+$0xC200] =	vst.add.f32.msk $0xffff, v6  }
0xb3: {  	[tilespmem:s23+$0xC210] =	vst.add.f32.msk $0xffff, v7  }
0xb4: {  	[tilespmem:s23+$0xC220] =	vst.add.f32.msk $0xffff, v8  }
0xb5: {  	[tilespmem:s23+$0xC230] =	vst.add.f32.msk $0xffff, v9  }
0xb6: {  	[tilespmem:s23+$0xC240] =	vst.add.f32.msk $0xffff, v10  }
0xb7: {  	[tilespmem:s23+$0xC250] =	vst.add.f32.msk $0xffff, v11  }
0xb8: {  	[tilespmem:s23+$0xC260] =	vst.add.f32.msk $0xffff, v12  }
0xb9: {  	[tilespmem:s23+$0xC270] =	vst.add.f32.msk $0xffff, v13  }
0xba: {  	[tilespmem:s23+$0xC600] =	vst.add.f32.msk $0xffff, v14  }
0xbb: {  	[tilespmem:s23+$0xC610] =	vst.add.f32.msk $0xffff, v15  }
0xbc: {  	[tilespmem:s23+$0xC620] =	vst.add.f32.msk $0xffff, v16  }
0xbd: {  	[tilespmem:s23+$0xC630] =	vst.add.f32.msk $0xffff, v17  }
0xbe: {  	[tilespmem:s23+$0xC640] =	vst.add.f32.msk $0xffff, v18  }
0xbf: {  	[tilespmem:s23+$0xC650] =	vst.add.f32.msk $0xffff, v19  }
0xc0: {  	[tilespmem:s23+$0xC660] =	vst.add.f32.msk $0xffff, v20  }
0xc1: {  	[tilespmem:s23+$0xC670] =	vst.add.f32.msk $0xffff, v21  }
0xc2: {  	[tilespmem:s23+$0xCA00] =	vst.add.f32.msk $0xffff, v22  }
0xc3: {  	[tilespmem:s23+$0xCA10] =	vst.add.f32.msk $0xffff, v23  }
0xc4: {  	[tilespmem:s23+$0xCA20] =	vst.add.f32.msk $0xffff, v24  }
0xc5: {  	[tilespmem:s23+$0xCA30] =	vst.add.f32.msk $0xffff, v25  }
0xc6: {  	[tilespmem:s23+$0xCA40] =	vst.add.f32.msk $0xffff, v26  }
0xc7: {  	[tilespmem:s23+$0xCA50] =	vst.add.f32.msk $0xffff, v27  }
0xc8: {  	[tilespmem:s23+$0xCA60] =	vst.add.f32.msk $0xffff, v28  }
0xc9: {  	[tilespmem:s23+$0xCA70] =	vst.add.f32.msk $0xffff, v29  }
0xca: {  	[tilespmem:s23+$0xCE00] =	vst.add.f32.msk $0xffff, v30  }
0xcb: {  	[tilespmem:s23+$0xCE10] =	vst.add.f32.msk $0xffff, v31  }
0xcc: {  	[tilespmem:s23+$0xCE20] =	vst.add.f32.msk $0xffff, v32  }
0xcd: {  	[tilespmem:s23+$0xCE30] =	vst.add.f32.msk $0xffff, v33  }
0xce: {  	[tilespmem:s23+$0xCE40] =	vst.add.f32.msk $0xffff, v34  }
0xcf: {  	[tilespmem:s23+$0xCE50] =	vst.add.f32.msk $0xffff, v35  }
0xd0: {  	[tilespmem:s23+$0xCE60] =	vst.add.f32.msk $0xffff, v36  }
0xd1: {  	[tilespmem:s23+$0xCE70] =	vst.add.f32.msk $0xffff, v37  }
0xd2: {  	[tilespmem:s23+$0xD200] =	vst.add.f32.msk $0xffff, v38  }
0xd3: {  	[tilespmem:s23+$0xD210] =	vst.add.f32.msk $0xffff, v39  }
0xd4: {  	[tilespmem:s23+$0xD220] =	vst.add.f32.msk $0xffff, v40  }
0xd5: {  	[tilespmem:s23+$0xD230] =	vst.add.f32.msk $0xffff, v41  }
0xd6: {  	[tilespmem:s23+$0xD240] =	vst.add.f32.msk $0xffff, v42  }
0xd7: {  	[tilespmem:s23+$0xD250] =	vst.add.f32.msk $0xffff, v43  }
0xd8: {  	[tilespmem:s23+$0xD260] =	vst.add.f32.msk $0xffff, v44  }
0xd9: {  	[tilespmem:s23+$0xD270] =	vst.add.f32.msk $0xffff, v45  }
0xda: {  	[tilespmem:s23+$0xD600] =	vst.add.f32.msk $0xffff, v46  }
0xdb: {  	[tilespmem:s23+$0xD610] =	vst.add.f32.msk $0xffff, v47  }
0xdc: {  	[tilespmem:s23+$0xD620] =	vst.add.f32.msk $0xffff, v48  }
0xdd: {  	s24 =	simm.s32 $0x2;
	s25 =	simm.s32 $0x0;
	[tilespmem:s23+$0xD630] =	vst.add.f32.msk $0xffff, v49  }
.LBB2_3:
0xde: {  	p0 =	sne.s32 s24, $0x3F;
	s25 =	smul.u32 $0x1800, s25;
	[tilespmem:s23+$0xD640] =	vst.add.f32.msk $0xffff, v5;
	s22 =	sadd.s32 $0x80, s22  }
0xdf: {  	s26 =	sand.u32 $0x380, s22;
	[tilespmem:s23+$0xD650] =	vst.add.f32.msk $0xffff, v4  }
0xe0: {  	[tilespmem:s23+$0xD660] =	vst.add.f32.msk $0xffff, v3;
	s23 =	sor.u32 s26, s25  }
0xe1: {  	v3 =	vld [tilespmem:s23+$0x1670]  }
0xe2: {  	v6 =	vld [tilespmem:s23+$0x200]  }
0xe3: {  	v7 =	vld [tilespmem:s23+$0x210]  }
0xe4: {  	v8 =	vld [tilespmem:s23+$0x220]  }
0xe5: {  	v9 =	vld [tilespmem:s23+$0x230]  }
0xe6: {  	[tilespmem:s23+$0xD670] =	vst.add.f32.msk $0xffff, v3  }
0xe7: {  	v10 =	vld [tilespmem:s23+$0x240]  }
0xe8: {  	v11 =	vld [tilespmem:s23+$0x250]  }
0xe9: {  	v12 =	vld [tilespmem:s23+$0x260]  }
0xea: {  	v13 =	vld [tilespmem:s23+$0x270]  }
0xeb: {  	v14 =	vld [tilespmem:s23+$0x600]  }
0xec: {  	v15 =	vld [tilespmem:s23+$0x610]  }
0xed: {  	v16 =	vld [tilespmem:s23+$0x620]  }
0xee: {  	v17 =	vld [tilespmem:s23+$0x630]  }
0xef: {  	v18 =	vld [tilespmem:s23+$0x640]  }
0xf0: {  	v19 =	vld [tilespmem:s23+$0x650]  }
0xf1: {  	v20 =	vld [tilespmem:s23+$0x660]  }
0xf2: {  	v21 =	vld [tilespmem:s23+$0x670]  }
0xf3: {  	v22 =	vld [tilespmem:s23+$0xA00]  }
0xf4: {  	v23 =	vld [tilespmem:s23+$0xA10]  }
0xf5: {  	v24 =	vld [tilespmem:s23+$0xA20]  }
0xf6: {  	v25 =	vld [tilespmem:s23+$0xA30]  }
0xf7: {  	v26 =	vld [tilespmem:s23+$0xA40]  }
0xf8: {  	v27 =	vld [tilespmem:s23+$0xA50]  }
0xf9: {  	v28 =	vld [tilespmem:s23+$0xA60]  }
0xfa: {  	v29 =	vld [tilespmem:s23+$0xA70]  }
0xfb: {  	v30 =	vld [tilespmem:s23+$0xE00]  }
0xfc: {  	v31 =	vld [tilespmem:s23+$0xE10]  }
0xfd: {  	v32 =	vld [tilespmem:s23+$0xE20]  }
0xfe: {  	v33 =	vld [tilespmem:s23+$0xE30]  }
0xff: {  	v34 =	vld [tilespmem:s23+$0xE40]  }
0x100: {  	v35 =	vld [tilespmem:s23+$0xE50]  }
0x101: {  	v36 =	vld [tilespmem:s23+$0xE60]  }
0x102: {  	v37 =	vld [tilespmem:s23+$0xE70]  }
0x103: {  	v38 =	vld [tilespmem:s23+$0x1200]  }
0x104: {  	v39 =	vld [tilespmem:s23+$0x1210]  }
0x105: {  	v40 =	vld [tilespmem:s23+$0x1220]  }
0x106: {  	v41 =	vld [tilespmem:s23+$0x1230]  }
0x107: {  	v42 =	vld [tilespmem:s23+$0x1240]  }
0x108: {  	v43 =	vld [tilespmem:s23+$0x1250]  }
0x109: {  	v44 =	vld [tilespmem:s23+$0x1260]  }
0x10a: {  	v45 =	vld [tilespmem:s23+$0x1270]  }
0x10b: {  	v46 =	vld [tilespmem:s23+$0x1600]  }
0x10c: {  	v47 =	vld [tilespmem:s23+$0x1610]  }
0x10d: {  	v48 =	vld [tilespmem:s23+$0x1620]  }
0x10e: {  	v49 =	vld [tilespmem:s23+$0x1630]  }
0x10f: {  	v5 =	vld [tilespmem:s23+$0x1640]  }
0x110: {  	v4 =	vld [tilespmem:s23+$0x1650]  }
0x111: {  	v3 =	vld [tilespmem:s23+$0x1660]  }
0x112: {  	[tilespmem:s23+$0xC200] =	vst.add.f32.msk $0xffff, v6  }
0x113: {  	[tilespmem:s23+$0xC210] =	vst.add.f32.msk $0xffff, v7  }
0x114: {  	[tilespmem:s23+$0xC220] =	vst.add.f32.msk $0xffff, v8  }
0x115: {  	[tilespmem:s23+$0xC230] =	vst.add.f32.msk $0xffff, v9  }
0x116: {  	[tilespmem:s23+$0xC240] =	vst.add.f32.msk $0xffff, v10  }
0x117: {  	[tilespmem:s23+$0xC250] =	vst.add.f32.msk $0xffff, v11  }
0x118: {  	[tilespmem:s23+$0xC260] =	vst.add.f32.msk $0xffff, v12  }
0x119: {  	[tilespmem:s23+$0xC270] =	vst.add.f32.msk $0xffff, v13  }
0x11a: {  	[tilespmem:s23+$0xC600] =	vst.add.f32.msk $0xffff, v14  }
0x11b: {  	[tilespmem:s23+$0xC610] =	vst.add.f32.msk $0xffff, v15  }
0x11c: {  	[tilespmem:s23+$0xC620] =	vst.add.f32.msk $0xffff, v16  }
0x11d: {  	[tilespmem:s23+$0xC630] =	vst.add.f32.msk $0xffff, v17  }
0x11e: {  	[tilespmem:s23+$0xC640] =	vst.add.f32.msk $0xffff, v18  }
0x11f: {  	[tilespmem:s23+$0xC650] =	vst.add.f32.msk $0xffff, v19  }
0x120: {  	[tilespmem:s23+$0xC660] =	vst.add.f32.msk $0xffff, v20  }
0x121: {  	[tilespmem:s23+$0xC670] =	vst.add.f32.msk $0xffff, v21  }
0x122: {  	[tilespmem:s23+$0xCA00] =	vst.add.f32.msk $0xffff, v22  }
0x123: {  	[tilespmem:s23+$0xCA10] =	vst.add.f32.msk $0xffff, v23  }
0x124: {  	[tilespmem:s23+$0xCA20] =	vst.add.f32.msk $0xffff, v24  }
0x125: {  	[tilespmem:s23+$0xCA30] =	vst.add.f32.msk $0xffff, v25  }
0x126: {  	[tilespmem:s23+$0xCA40] =	vst.add.f32.msk $0xffff, v26  }
0x127: {  	[tilespmem:s23+$0xCA50] =	vst.add.f32.msk $0xffff, v27  }
0x128: {  	[tilespmem:s23+$0xCA60] =	vst.add.f32.msk $0xffff, v28  }
0x129: {  	[tilespmem:s23+$0xCA70] =	vst.add.f32.msk $0xffff, v29  }
0x12a: {  	[tilespmem:s23+$0xCE00] =	vst.add.f32.msk $0xffff, v30  }
0x12b: {  	[tilespmem:s23+$0xCE10] =	vst.add.f32.msk $0xffff, v31  }
0x12c: {  	[tilespmem:s23+$0xCE20] =	vst.add.f32.msk $0xffff, v32  }
0x12d: {  	[tilespmem:s23+$0xCE30] =	vst.add.f32.msk $0xffff, v33  }
0x12e: {  	[tilespmem:s23+$0xCE40] =	vst.add.f32.msk $0xffff, v34  }
0x12f: {  	[tilespmem:s23+$0xCE50] =	vst.add.f32.msk $0xffff, v35  }
0x130: {  	[tilespmem:s23+$0xCE60] =	vst.add.f32.msk $0xffff, v36  }
0x131: {  	[tilespmem:s23+$0xCE70] =	vst.add.f32.msk $0xffff, v37  }
0x132: {  	[tilespmem:s23+$0xD200] =	vst.add.f32.msk $0xffff, v38  }
0x133: {  	[tilespmem:s23+$0xD210] =	vst.add.f32.msk $0xffff, v39  }
0x134: {  	[tilespmem:s23+$0xD220] =	vst.add.f32.msk $0xffff, v40  }
0x135: {  	[tilespmem:s23+$0xD230] =	vst.add.f32.msk $0xffff, v41  }
0x136: {  	[tilespmem:s23+$0xD240] =	vst.add.f32.msk $0xffff, v42  }
0x137: {  	[tilespmem:s23+$0xD250] =	vst.add.f32.msk $0xffff, v43  }
0x138: {  	[tilespmem:s23+$0xD260] =	vst.add.f32.msk $0xffff, v44  }
.Ltmp0:
0x139: {  	[tilespmem:s23+$0xD270] =	vst.add.f32.msk $0xffff, v45;
	(pc) =	sbr.rel @p0 .LBB2_3-.Ltmp0, $4  }
0x13a: {  	[tilespmem:s23+$0xD600] =	vst.add.f32.msk $0xffff, v46  }
0x13b: {  	[tilespmem:s23+$0xD610] =	vst.add.f32.msk $0xffff, v47  }
0x13c: {  	[tilespmem:s23+$0xD620] =	vst.add.f32.msk $0xffff, v48  }
0x13d: {  	s25 =	sshrl.u32 s24, $0x3;
	s24 =	sadd.s32 $0x1, s24;
	[tilespmem:s23+$0xD630] =	vst.add.f32.msk $0xffff, v49  }
0x13e: {  	s24 =	smul.u32 $0x1800, s25;
	[tilespmem:s23+$0xD640] =	vst.add.f32.msk $0xffff, v5;
	s22 =	sadd.s32 $0x80, s22  }
0x13f: {  	[tilespmem:s23+$0xD650] =	vst.add.f32.msk $0xffff, v4;
	s22 =	sand.u32 $0x380, s22  }
0x140: {  	[tilespmem:s23+$0xD660] =	vst.add.f32.msk $0xffff, v3;
	s22 =	sor.u32 s22, s24  }
0x141: {  	v3 =	vld [tilespmem:s22+$0x1670]  }
0x142: {  	v4 =	vld [tilespmem:s22+$0x200]  }
0x143: {  	v5 =	vld [tilespmem:s22+$0x210]  }
0x144: {  	v6 =	vld [tilespmem:s22+$0x220]  }
0x145: {  	v7 =	vld [tilespmem:s22+$0x230]  }
0x146: {  	v8 =	vld [tilespmem:s22+$0x250]  }
0x147: {  	v9 =	vld [tilespmem:s22+$0x260]  }
0x148: {  	v10 =	vld [tilespmem:s22+$0x270]  }
0x149: {  	v11 =	vld [tilespmem:s22+$0x600]  }
0x14a: {  	v12 =	vld [tilespmem:s22+$0x610]  }
0x14b: {  	v13 =	vld [tilespmem:s22+$0x620]  }
0x14c: {  	v14 =	vld [tilespmem:s22+$0x630]  }
0x14d: {  	v15 =	vld [tilespmem:s22+$0x640]  }
0x14e: {  	v16 =	vld [tilespmem:s22+$0x650]  }
0x14f: {  	v17 =	vld [tilespmem:s22+$0x660]  }
0x150: {  	v18 =	vld [tilespmem:s22+$0x670]  }
0x151: {  	v19 =	vld [tilespmem:s22+$0xA00]  }
0x152: {  	v20 =	vld [tilespmem:s22+$0xA10]  }
0x153: {  	v21 =	vld [tilespmem:s22+$0xA20]  }
0x154: {  	v22 =	vld [tilespmem:s22+$0xA30]  }
0x155: {  	v23 =	vld [tilespmem:s22+$0xA40]  }
0x156: {  	v24 =	vld [tilespmem:s22+$0xA50]  }
0x157: {  	v25 =	vld [tilespmem:s22+$0xA60]  }
0x158: {  	v26 =	vld [tilespmem:s22+$0xA70]  }
0x159: {  	v27 =	vld [tilespmem:s22+$0xE00]  }
0x15a: {  	v28 =	vld [tilespmem:s22+$0xE10]  }
0x15b: {  	v29 =	vld [tilespmem:s22+$0xE20]  }
0x15c: {  	v30 =	vld [tilespmem:s22+$0xE30]  }
0x15d: {  	v31 =	vld [tilespmem:s22+$0xE40]  }
0x15e: {  	v32 =	vld [tilespmem:s22+$0xE50]  }
0x15f: {  	v33 =	vld [tilespmem:s22+$0xE60]  }
0x160: {  	v34 =	vld [tilespmem:s22+$0xE70]  }
0x161: {  	v35 =	vld [tilespmem:s22+$0x1200]  }
0x162: {  	v36 =	vld [tilespmem:s22+$0x1210]  }
0x163: {  	v37 =	vld [tilespmem:s22+$0x1220]  }
0x164: {  	v38 =	vld [tilespmem:s22+$0x1230]  }
0x165: {  	v39 =	vld [tilespmem:s22+$0x1240]  }
0x166: {  	v40 =	vld [tilespmem:s22+$0x1250]  }
0x167: {  	v41 =	vld [tilespmem:s22+$0x1260]  }
0x168: {  	v42 =	vld [tilespmem:s22+$0x1270]  }
0x169: {  	v43 =	vld [tilespmem:s22+$0x1600]  }
0x16a: {  	v44 =	vld [tilespmem:s22+$0x1610]  }
0x16b: {  	v45 =	vld [tilespmem:s22+$0x1620]  }
0x16c: {  	v46 =	vld [tilespmem:s22+$0x1630]  }
0x16d: {  	v47 =	vld [tilespmem:s22+$0x1640]  }
0x16e: {  	v48 =	vld [tilespmem:s22+$0x1650]  }
0x16f: {  	v49 =	vld [tilespmem:s22+$0x1660]  }
0x170: {  	[tilespmem:s22+$0xD670] =	vst.add.f32.msk $0xffff, v3  }
0x171: {  	v3 =	vld [tilespmem:s22+$0x240]  }
0x172: {  	[tilespmem:s22+$0xC200] =	vst.add.f32.msk $0xffff, v4  }
0x173: {  	[tilespmem:s22+$0xC210] =	vst.add.f32.msk $0xffff, v5  }
0x174: {  	[tilespmem:s22+$0xC220] =	vst.add.f32.msk $0xffff, v6  }
0x175: {  	[tilespmem:s22+$0xC230] =	vst.add.f32.msk $0xffff, v7  }
0x176: {  	[tilespmem:s22+$0xC250] =	vst.add.f32.msk $0xffff, v8  }
0x177: {  	[tilespmem:s22+$0xC260] =	vst.add.f32.msk $0xffff, v9  }
0x178: {  	[tilespmem:s22+$0xC270] =	vst.add.f32.msk $0xffff, v10  }
0x179: {  	[tilespmem:s22+$0xC600] =	vst.add.f32.msk $0xffff, v11  }
0x17a: {  	[tilespmem:s22+$0xC610] =	vst.add.f32.msk $0xffff, v12  }
0x17b: {  	[tilespmem:s22+$0xC620] =	vst.add.f32.msk $0xffff, v13  }
0x17c: {  	[tilespmem:s22+$0xC630] =	vst.add.f32.msk $0xffff, v14  }
0x17d: {  	[tilespmem:s22+$0xC640] =	vst.add.f32.msk $0xffff, v15  }
0x17e: {  	[tilespmem:s22+$0xC650] =	vst.add.f32.msk $0xffff, v16  }
0x17f: {  	[tilespmem:s22+$0xC660] =	vst.add.f32.msk $0xffff, v17  }
0x180: {  	[tilespmem:s22+$0xC670] =	vst.add.f32.msk $0xffff, v18  }
0x181: {  	[tilespmem:s22+$0xCA00] =	vst.add.f32.msk $0xffff, v19  }
0x182: {  	[tilespmem:s22+$0xCA10] =	vst.add.f32.msk $0xffff, v20  }
0x183: {  	[tilespmem:s22+$0xCA20] =	vst.add.f32.msk $0xffff, v21  }
0x184: {  	[tilespmem:s22+$0xCA30] =	vst.add.f32.msk $0xffff, v22  }
0x185: {  	[tilespmem:s22+$0xCA40] =	vst.add.f32.msk $0xffff, v23  }
0x186: {  	[tilespmem:s22+$0xCA50] =	vst.add.f32.msk $0xffff, v24  }
0x187: {  	[tilespmem:s22+$0xCA60] =	vst.add.f32.msk $0xffff, v25  }
0x188: {  	[tilespmem:s22+$0xCA70] =	vst.add.f32.msk $0xffff, v26  }
0x189: {  	[tilespmem:s22+$0xCE00] =	vst.add.f32.msk $0xffff, v27  }
0x18a: {  	[tilespmem:s22+$0xCE10] =	vst.add.f32.msk $0xffff, v28  }
0x18b: {  	[tilespmem:s22+$0xCE20] =	vst.add.f32.msk $0xffff, v29  }
0x18c: {  	[tilespmem:s22+$0xCE30] =	vst.add.f32.msk $0xffff, v30  }
0x18d: {  	[tilespmem:s22+$0xCE40] =	vst.add.f32.msk $0xffff, v31  }
0x18e: {  	[tilespmem:s22+$0xCE50] =	vst.add.f32.msk $0xffff, v32  }
0x18f: {  	[tilespmem:s22+$0xCE60] =	vst.add.f32.msk $0xffff, v33  }
0x190: {  	[tilespmem:s22+$0xCE70] =	vst.add.f32.msk $0xffff, v34  }
0x191: {  	[tilespmem:s22+$0xD200] =	vst.add.f32.msk $0xffff, v35  }
0x192: {  	[tilespmem:s22+$0xD210] =	vst.add.f32.msk $0xffff, v36  }
0x193: {  	[tilespmem:s22+$0xD220] =	vst.add.f32.msk $0xffff, v37  }
0x194: {  	[tilespmem:s22+$0xD230] =	vst.add.f32.msk $0xffff, v38  }
0x195: {  	[tilespmem:s22+$0xD240] =	vst.add.f32.msk $0xffff, v39  }
0x196: {  	[tilespmem:s22+$0xD250] =	vst.add.f32.msk $0xffff, v40  }
0x197: {  	[tilespmem:s22+$0xD260] =	vst.add.f32.msk $0xffff, v41  }
0x198: {  	[tilespmem:s22+$0xD270] =	vst.add.f32.msk $0xffff, v42  }
0x199: {  	[tilespmem:s22+$0xD600] =	vst.add.f32.msk $0xffff, v43  }
0x19a: {  	[tilespmem:s22+$0xD610] =	vst.add.f32.msk $0xffff, v44  }
0x19b: {  	[tilespmem:s22+$0xD620] =	vst.add.f32.msk $0xffff, v45  }
0x19c: {  	s25 =	smul.u32 $0x180000, s21;
	[tilespmem:s22+$0xD630] =	vst.add.f32.msk $0xffff, v46  }
0x19d: {  	[tilespmem:s22+$0xD640] =	vst.add.f32.msk $0xffff, v47  }
0x19e: {  	s21 =	sadd.s32 $0x1, s21;
	s23 =	sadd.s32 s6, s25;
	[tilespmem:s22+$0xD650] =	vst.add.f32.msk $0xffff, v48  }
0x19f: {  	s26 =	rddreg [dreg:$0x3];
	p0 =	sne.s32 s21, $0x4;
	s23 =	sshrl.u32 s23, $0x3;
	[tilespmem:s22+$0xD660] =	vst.add.f32.msk $0xffff, v49  }
.Ltmp1:
0x1a0: {  	[tilespmem:s22+$0xC240] =	vst.add.f32.msk $0xffff, v3;
	s22 =	sadd.s32 s26, s23;
	(pc) =	sbr.rel @p0 .LBB2_2-.Ltmp1, $4  }
0x1a1: {  	[hbm4b:s22+s4] =	stream.linear.scatter [tilespmem:s20], [sflag:$0x2], $0xC000, $0x38;
	[tilespmem:$0x18200] =	vst v63  }
0x1a2: {  	_ =	swait.ge [sflag:s18], $0xC000  }
0x1a3: {  	[sflag:s18] =	ssyncset.done $0x0  }
0x1a4: {  	[sflag:s18] =	ssyncadd.s32 $0xFFFF4000  }
0x1a5: {  	s22 =	rddreg [dreg:$0xb]  }
0x1a6: {  	s21 =	rddreg [dreg:$0xa];
	s22 =	sadd.s32 $0x1, s22  }
0x1a7: {  	p0 =	sne.s32 s22, s21  }
.Ltmp2:
0x1a8: {  	_ = 	snop;
	(pc) =	sbr.rel @p0 .LBB2_1-.Ltmp2, $1  }
0x1a9: {  	_ =	sdelay $0x3  }
0x1aa: {  	_ =	sfence.sel $0x180000  }
0x1ab: {  	[bflag:$0x0] =	sbarrier.arrive $0xFFFF  }
0x1ac: {  	_ =	strace $0x90000047  }
0x1ad: {  	s0 =	stileid.u32;
	[bflag:$0x2] =	sbarrier.arrive $0xFFFF  }
0x1ae: {  	p0 =	sne.s32 s0, $0x0;
	s0 =	rddreg [dreg:$0x4]  }
0x1af: {  	s0 =	sadd.s32 @!p0 $0x100000, s0  }
0x1b0: {  	[sflag:s0] =	ssyncadd.tile.s32 @!p0 $0x1;
	_ =	shalt  }
.Lfunc_end2:
_tile_overlayer_lowered:
.L_overlay_start_2:
0x1b1: {  	(tag) =	ssettag $0x2  }
0x1b2: {  	s0 =	rddreg [dreg:$0x0];
	s2 =	stileid.u32  }
0x1b3: {  	s1 =	rddreg [dreg:$0x1];
	p0 =	sne.s32 s2, $0x0  }
0x1b4: {  	s3 =	rddreg [dreg:$0x2];
	[bflag:$0x3] =	sbarrier.arrive $0xFFFF;
	s2 =	simm.s32 @!p0 $0x1C02  }
0x1b5: {  	[timem:s3], [sflag:s2] =	dma.local @!p0 [hbm:s0], s1  }
0x1b6: {  	s0 =	simm.s32 @!p0 $0x2  }
0x1b7: {  	_ =	swait.ge @!p0 [sflag:s0], s1  }
0x1b8: {  	s1 =	ssub.s32 @!p0 $0x0, s1;
	[sflag:s0] =	ssyncset.done @!p0 $0x0  }
0x1b9: {  	[sflag:s0] =	ssyncadd.s32 @!p0 s1  }
0x1ba: {  	[bflag:$0x3] =	sbarrier.arrive $0xFFFF  }
0x1bb: {  	_ =	shalt  }

</sc_bundles>
